<compile_context>
chip_gen: v7x
topology: tpu7x:2x2x1
jax: 0.10.2.dev20260603
libtpu: 0.0.44.dev20260713+nightly
codegen_flags: <defaults>
</compile_context>

<pallas_src>
import functools

import jax
import jax.numpy as jnp
from jax import lax
from jax.experimental import pallas as pl
from jax.experimental.pallas import tpu as pltpu
from jax.experimental.pallas import tpu_sc as plsc

N = 10000
E = 320000
C = 128
OUT = 128

_NC = 2
_NS = 16
_NW = _NC * _NS
CHUNK = 128
_CH = E // CHUNK
_CHB = _CH // _NW
_CHR = _CH % _NW
_RT = N // _NS
_RZ = (N + 16) // _NS


_NP = N + 16


def _counts_body(e0_hbm, e1_hbm, zc_hbm,
                 csl_hbm, cdl_hbm,
                 e0_v, e1_v, cs_loc, cd_loc):
    cid = lax.axis_index("c")
    sid = lax.axis_index("s")
    wid = sid * _NC + cid
    one16 = jnp.ones((16,), jnp.float32)
    pltpu.sync_copy(zc_hbm, cs_loc)
    pltpu.sync_copy(zc_hbm, cd_loc)
    nch = jnp.where(wid < _CHR, _CHB + 1, _CHB)

    def _chunk(j, carry):
        off = (wid + j * _NW) * CHUNK
        pltpu.sync_copy(e0_hbm.at[pl.ds(off, CHUNK)], e0_v)
        pltpu.sync_copy(e1_hbm.at[pl.ds(off, CHUNK)], e1_v)

        def _cnt(i, c2):
            plsc.addupdate_scatter(cs_loc, [e0_v[pl.ds(i * 16, 16)]], one16)
            plsc.addupdate_scatter(cd_loc, [e1_v[pl.ds(i * 16, 16)]], one16)
            return c2

        lax.fori_loop(0, CHUNK // 16, _cnt, 0)
        return carry

    lax.fori_loop(0, nch, _chunk, 0)
    pltpu.sync_copy(cs_loc, csl_hbm.at[pl.ds(wid * _NP, _NP)])
    pltpu.sync_copy(cd_loc, cdl_hbm.at[pl.ds(wid * _NP, _NP)])


_counts_kernel = functools.partial(
    pl.kernel,
    out_type=[jax.ShapeDtypeStruct((_NW * _NP,), jnp.float32)] * 2,
    mesh=plsc.VectorSubcoreMesh(core_axis_name="c", subcore_axis_name="s"),
    compiler_params=pltpu.CompilerParams(use_tc_tiling_on_sc=False, needs_layout_passes=False),
    scratch_types=[
        pltpu.VMEM((CHUNK,), jnp.int32),
        pltpu.VMEM((CHUNK,), jnp.int32),
        pltpu.VMEM((_NP,), jnp.float32),
        pltpu.VMEM((_NP,), jnp.float32),
    ],
)(_counts_body)


def _agg_body(e0_hbm, e1_hbm, t_hbm, x_hbm, z_hbm,
              a0_hbm, a1_hbm,
              e0_v, e1_v, tgt_v, rows_v, t_v, agg_sh, sem):
    cid = lax.axis_index("c")
    sid = lax.axis_index("s")
    wid = sid * _NC + cid
    pltpu.sync_copy(t_hbm, t_v)
    pltpu.sync_copy(z_hbm, agg_sh.at[pl.ds(sid * _RZ, _RZ)])
    plsc.subcore_barrier()
    nch = jnp.where(wid < _CHR, _CHB + 1, _CHB)

    def _chunk(j, carry):
        off = (wid + j * _NW) * CHUNK
        pltpu.sync_copy(e1_hbm.at[pl.ds(off, CHUNK)], e1_v)
        cp = pltpu.async_copy(x_hbm.at[e1_v], rows_v, sem)
        pltpu.sync_copy(e0_hbm.at[pl.ds(off, CHUNK)], e0_v)

        def _map(i, c2):
            idx16 = e0_v[pl.ds(i * 16, 16)]
            tgt_v[pl.ds(i * 16, 16)] = plsc.load_gather(t_v, [idx16])
            return c2

        lax.fori_loop(0, CHUNK // 16, _map, 0)
        cp.wait()
        pltpu.sync_copy(rows_v, agg_sh.at[tgt_v], add=True)
        return carry

    lax.fori_loop(0, nch, _chunk, 0)
    plsc.subcore_barrier()
    r0 = sid * _RT

    @pl.when(cid == 0)
    def _():
        pltpu.sync_copy(agg_sh.at[pl.ds(r0, _RT)], a0_hbm.at[pl.ds(r0, _RT)])

    @pl.when(cid == 1)
    def _():
        pltpu.sync_copy(agg_sh.at[pl.ds(r0, _RT)], a1_hbm.at[pl.ds(r0, _RT)])


_agg_kernel = functools.partial(
    pl.kernel,
    out_type=[jax.ShapeDtypeStruct((N, C), jnp.float32)] * 2,
    mesh=plsc.VectorSubcoreMesh(core_axis_name="c", subcore_axis_name="s"),
    compiler_params=pltpu.CompilerParams(use_tc_tiling_on_sc=False, needs_layout_passes=False),
    scratch_types=[
        pltpu.VMEM((CHUNK,), jnp.int32),
        pltpu.VMEM((CHUNK,), jnp.int32),
        pltpu.VMEM((CHUNK,), jnp.int32),
        pltpu.VMEM((CHUNK, C), jnp.float32),
        pltpu.VMEM((N,), jnp.int32),
        pltpu.VMEM_SHARED((N + 16, C), jnp.float32),
        pltpu.SemaphoreType.DMA,
    ],
)(_agg_body)


_RB = 1000


def _dense_body(p0, p1, x, cnt, wl, wc, bc, ng, nb, wo, bo, o):
    cntv = cnt[...]
    deg = jnp.maximum(cntv, 1.0)
    agg = (p0[...] + p1[...]) / deg
    pre = (jnp.dot(agg, wl[...], preferred_element_type=jnp.float32)
           + jnp.dot(x[...], wc[...], preferred_element_type=jnp.float32)
           + bc[...])
    h = jnp.maximum(pre, 0.0)
    mu = jnp.mean(h, axis=1, keepdims=True)
    var = jnp.mean((h - mu) * (h - mu), axis=1, keepdims=True)
    ln = (h - mu) * lax.rsqrt(var + 1e-5) * ng[...] + nb[...]
    hsel = jnp.where(cntv > 0.0, ln, x[...])
    o[...] = jnp.dot(hsel, wo[...], preferred_element_type=jnp.float32) + bo[...]


_dense_kernel = pl.pallas_call(
    _dense_body,
    grid=(N // _RB,),
    in_specs=[
        pl.BlockSpec((_RB, C), lambda i: (i, 0)),
        pl.BlockSpec((_RB, C), lambda i: (i, 0)),
        pl.BlockSpec((_RB, C), lambda i: (i, 0)),
        pl.BlockSpec((_RB, 1), lambda i: (i, 0)),
        pl.BlockSpec((C, C), lambda i: (0, 0)),
        pl.BlockSpec((C, C), lambda i: (0, 0)),
        pl.BlockSpec((1, C), lambda i: (0, 0)),
        pl.BlockSpec((1, C), lambda i: (0, 0)),
        pl.BlockSpec((1, C), lambda i: (0, 0)),
        pl.BlockSpec((C, OUT), lambda i: (0, 0)),
        pl.BlockSpec((1, OUT), lambda i: (0, 0)),
    ],
    out_specs=pl.BlockSpec((_RB, OUT), lambda i: (i, 0)),
    out_shape=jax.ShapeDtypeStruct((N, OUT), jnp.float32),
)


def kernel(x_user, x_item, edge_user_item, edge_item_user,
           conv0_Wl, conv0_W0, conv0_W1, conv0_bl, conv0_b0, conv0_b1,
           conv0_gate, norm0_g, norm0_b,
           conv1_Wl, conv1_W0, conv1_W1, conv1_bl, conv1_b0, conv1_b1,
           conv1_gate, norm1_g, norm1_b,
           W_out, b_out):
    e0 = edge_item_user[0]
    e1 = edge_item_user[1]

    zc = jnp.zeros((_NP,), jnp.float32)
    csl, cdl = _counts_kernel(e0, e1, zc)

    cnt2 = jnp.stack([csl, cdl]).reshape(2, _NW, _NP).sum(1)[:, :N]
    cnt_s = cnt2[0]
    cnt_d = cnt2[1]
    pres = cnt2 > 0.0
    ranks = jnp.cumsum(pres.astype(jnp.int32), axis=1) - 1
    ps = pres[0]
    pd = pres[1]
    rank_s = ranks[0]
    rank_d = ranks[1]
    ar = jnp.arange(N, dtype=jnp.int32)
    nor = jnp.full((N,), N, jnp.int32).at[
        jnp.where(pd, rank_d, N)].set(ar, mode="drop")
    tmap = jnp.where(ps, nor[jnp.clip(rank_s, 0, N - 1)],
                     jnp.int32(N)).astype(jnp.int32)

    za = jnp.zeros((_RZ, C), jnp.float32)
    a0, a1 = _agg_kernel(e0, e1, tmap, x_user, za)

    g = jax.nn.sigmoid(conv1_gate)
    wc = (1.0 - g) * conv1_W0 + g * conv1_W1
    bc = conv1_bl + (1.0 - g) * conv1_b0 + g * conv1_b1

    return _dense_kernel(a0, a1, x_user, cnt_d[:, None],
                         conv1_Wl, wc, bc[None], norm1_g[None], norm1_b[None],
                         W_out, b_out[None])

# --- scband reference (transcript-rebuilt; emitter-appended) ---
"""Pipeline reference for scband-meta-path-gnn-81252191306258 (READ-ONLY COPY).

The authoritative reference and input builder live on the scoring server;
editing this copy changes nothing except your own understanding.
"""

import jax, jax.numpy as jnp
import numpy as np

N = 10000
E = 320000
C = 128
OUT = 128

def setup_inputs(seed: int = 0):
    key = jax.random.key(seed)
    ks = jax.random.split(key, 24)
    inp = {}
    inp["x_user"] = jax.random.normal(ks[0], (N, C), dtype=jnp.float32)
    inp["x_item"] = jax.random.normal(ks[1], (N, C), dtype=jnp.float32)
    inp["edge_user_item"] = jax.random.randint(ks[2], (2, E), 0, N, dtype=jnp.int32)
    inp["edge_item_user"] = jax.random.randint(ks[3], (2, E), 0, N, dtype=jnp.int32)
    i = 4
    for c in (0, 1):
        for nm in ("Wl", "W0", "W1"):
            inp["conv%d_%s" % (c, nm)] = jax.random.normal(ks[i], (C, C), dtype=jnp.float32) * 0.05
            i += 1
        for nm in ("bl", "b0", "b1"):
            inp["conv%d_%s" % (c, nm)] = jnp.zeros((C,), dtype=jnp.float32)
        inp["conv%d_gate" % c] = jnp.asarray(0.5, dtype=jnp.float32)
        inp["norm%d_g" % c] = jnp.ones((C,), dtype=jnp.float32)
        inp["norm%d_b" % c] = jnp.zeros((C,), dtype=jnp.float32)
    inp["W_out"] = jax.random.normal(ks[i], (C, OUT), dtype=jnp.float32) * 0.05
    inp["b_out"] = jnp.zeros((OUT,), dtype=jnp.float32)
    return inp

def _layer(x_orig, h_cur, src_inv, dst_inv, Wl, bl, W0, b0, W1, b1, gate):
    # MetaPathGNNLayer: flow='target_to_source' => x_j = x[edge_index[1]], aggregate at edge_index[0]
    xj = h_cur[dst_inv]
    agg = jax.ops.segment_sum(xj, src_inv, num_segments=h_cur.shape[0])
    deg = jnp.clip(jnp.bincount(dst_inv, length=h_cur.shape[0]), 1).astype(jnp.float32)[:, None]
    agg = agg / deg
    g = jax.nn.sigmoid(gate)
    return agg @ Wl + bl + (1.0 - g) * (h_cur @ W0 + b0) + g * (x_orig @ W1 + b1)

def _ln(x, g, b):
    mu = jnp.mean(x, axis=-1, keepdims=True)
    var = jnp.var(x, axis=-1, keepdims=True)
    return (x - mu) / jnp.sqrt(var + 1e-5) * g + b

def _step(x0_dst, h_dst_full, edge, cw, nw):
    n = h_dst_full.shape[0]
    present_s = jnp.zeros((n,), dtype=bool).at[edge[0]].set(True)
    present_d = jnp.zeros((n,), dtype=bool).at[edge[1]].set(True)
    rank_s = jnp.cumsum(present_s) - 1
    rank_d = jnp.cumsum(present_d) - 1
    src_inv = rank_s[edge[0]].reshape(-1)
    dst_inv = rank_d[edge[1]].reshape(-1)
    node_of_rank = jnp.zeros((n,), dtype=edge.dtype).at[
        jnp.where(present_d, rank_d, n)
    ].set(jnp.arange(n, dtype=edge.dtype), mode='drop')
    x_dst_orig = x0_dst[node_of_rank]
    h_dst_cur = h_dst_full[node_of_rank]
    h_new = _layer(x_dst_orig, h_dst_cur, src_inv, dst_inv, *cw)
    h_new = jax.nn.relu(h_new)
    h_new = _ln(h_new, *nw)
    n_dst = jnp.sum(present_d)
    out_idx = jnp.where(jnp.arange(n) < n_dst, node_of_rank, n)
    return h_dst_full.at[out_idx].set(h_new, mode='drop')

def reference(x_user, x_item, edge_user_item, edge_item_user,
              conv0_Wl, conv0_W0, conv0_W1, conv0_bl, conv0_b0, conv0_b1, conv0_gate, norm0_g, norm0_b,
              conv1_Wl, conv1_W0, conv1_W1, conv1_bl, conv1_b0, conv1_b1, conv1_gate, norm1_g, norm1_b,
              W_out, b_out):
    x0_user = jax.lax.stop_gradient(x_user)
    x0_item = jax.lax.stop_gradient(x_item)
    h_user, h_item = x_user, x_item
    # reversed metapath: first (item, rev, user) uses conv_idx=1, then (user, to, item) uses conv_idx=0
    h_user = _step(x0_user, h_user, edge_item_user,
                   (conv1_Wl, conv1_bl, conv1_W0, conv1_b0, conv1_W1, conv1_b1, conv1_gate),
                   (norm1_g, norm1_b))
    h_item = _step(x0_item, h_item, edge_user_item,
                   (conv0_Wl, conv0_bl, conv0_W0, conv0_b0, conv0_W1, conv0_b1, conv0_gate),
                   (norm0_g, norm0_b))
    # start_type = metapath[0][0] = 'user'
    return h_user @ W_out + b_out

if __name__ == "__main__":
    import jax
    _d = setup_inputs()
    print(jax.jit(kernel)(*tuple(_d.values())))

</pallas_src>

<mosaic_0001>
#map = affine_map<(d0, d1) -> (0)>
module attributes {stable_mosaic.version = 14 : i64} {
  func.func @_counts_body(%arg0: i32, %arg1: i32, %arg2: memref<320000xi32, #tpu.memory_space<hbm>>, %arg3: memref<320000xi32, #tpu.memory_space<hbm>>, %arg4: memref<10016xf32, #tpu.memory_space<hbm>>, %arg5: memref<320512xf32, #tpu.memory_space<hbm>>, %arg6: memref<320512xf32, #tpu.memory_space<hbm>>, %arg7: memref<128xi32, #tpu.memory_space<vmem>>, %arg8: memref<128xi32, #tpu.memory_space<vmem>>, %arg9: memref<10016xf32, #tpu.memory_space<vmem>>, %arg10: memref<10016xf32, #tpu.memory_space<vmem>>) attributes {dimension_semantics = [#tpu.dimension_semantics<core_parallel>, #tpu.dimension_semantics<subcore_parallel>], iteration_bounds = array<i64: 2, 16>, scalar_prefetch = 0 : i64, scratch_operands = 4 : i64, tpu.core_type = #tpu.core_type<sc_vector_subcore>, window_params = [{transform_indices = #map}, {transform_indices = #map}, {transform_indices = #map}, {transform_indices = #map}, {transform_indices = #map}]} {
    %mul3A = arith.constant 2 : i32
    %mul3A_0 = arith.muli %arg1, %mul3A : i32
    %add3A = arith.addi %mul3A_0, %arg0 : i32
    %broadcast_in_dim3A = arith.constant 1.000000e+00 : f32
    %broadcast_in_dim3A_1 = vector.broadcast %broadcast_in_dim3A : f32 to vector<16xf32>
    "tpu.region"() ({
      %run_scoped3A = tpu.sem_alloc : memref<!tpu.dma_semaphore, #tpu.memory_space<semaphore_mem>>
      tpu.enqueue_dma source(%arg4 : memref<10016xf32, #tpu.memory_space<hbm>>) target(%arg9 : memref<10016xf32, #tpu.memory_space<vmem>>) target_semaphore(%run_scoped3A : memref<!tpu.dma_semaphore, #tpu.memory_space<semaphore_mem>>)
      tpu.wait_dma2 semaphore(%run_scoped3A : memref<!tpu.dma_semaphore, #tpu.memory_space<semaphore_mem>>) src(%arg4 : memref<10016xf32, #tpu.memory_space<hbm>>) dst(%arg9 : memref<10016xf32, #tpu.memory_space<vmem>>)
      tpu.yield
    }) : () -> ()
    "tpu.region"() ({
      %run_scoped3A = tpu.sem_alloc : memref<!tpu.dma_semaphore, #tpu.memory_space<semaphore_mem>>
      tpu.enqueue_dma source(%arg4 : memref<10016xf32, #tpu.memory_space<hbm>>) target(%arg10 : memref<10016xf32, #tpu.memory_space<vmem>>) target_semaphore(%run_scoped3A : memref<!tpu.dma_semaphore, #tpu.memory_space<semaphore_mem>>)
      tpu.wait_dma2 semaphore(%run_scoped3A : memref<!tpu.dma_semaphore, #tpu.memory_space<semaphore_mem>>) src(%arg4 : memref<10016xf32, #tpu.memory_space<hbm>>) dst(%arg10 : memref<10016xf32, #tpu.memory_space<vmem>>)
      tpu.yield
    }) : () -> ()
    %lt3A = arith.constant 4 : i32
    %lt3A_2 = arith.cmpi slt, %add3A, %lt3A : i32
    %jit3A = arith.constant 79 : i32
    %jit3A_3 = arith.constant 78 : i32
    %select_n3A = arith.select %lt3A_2, %jit3A, %jit3A_3 : i32
    %while3A = arith.constant 0 : i32
    %while3A_4 = arith.constant 0 : i32
    %while3A_5 = arith.subi %select_n3A, %while3A_4 : i32
    %while3A_6 = arith.addi %while3A_4, %while3A_5 : i32
    %while3A_7 = arith.constant 1 : i32
    %while3A_8 = arith.divsi %while3A_5, %while3A_7 : i32
    %while3A_9 = arith.muli %while3A_8, %while3A_7 : i32
    %while3A_10 = arith.addi %while3A_4, %while3A_9 : i32
    %while3A_11 = arith.constant 1 : i32
    scf.for %while3A_17 = %while3A_4 to %while3A_10 step %while3A_11  : i32 {
      %mul3A_18 = arith.constant 32 : i32
      %mul3A_19 = arith.muli %while3A_17, %mul3A_18 : i32
      %add3A_20 = arith.addi %add3A, %mul3A_19 : i32
      %mul3A_21 = arith.constant 128 : i32
      %mul3A_22 = arith.muli %add3A_20, %mul3A_21 : i32
      "tpu.region"() ({
        %run_scoped3A = tpu.sem_alloc : memref<!tpu.dma_semaphore, #tpu.memory_space<semaphore_mem>>
        %dma_start3A = tpu.memref_slice %arg2[%mul3A_22] : memref<320000xi32, #tpu.memory_space<hbm>> -> memref<128xi32, #tpu.memory_space<hbm>>
        %dma_start3A_28 = tpu.memref_slice %arg2[%mul3A_22] : memref<320000xi32, #tpu.memory_space<hbm>> -> memref<128xi32, #tpu.memory_space<hbm>>
        tpu.enqueue_dma source(%dma_start3A_28 : memref<128xi32, #tpu.memory_space<hbm>>) target(%arg7 : memref<128xi32, #tpu.memory_space<vmem>>) target_semaphore(%run_scoped3A : memref<!tpu.dma_semaphore, #tpu.memory_space<semaphore_mem>>)
        %dma_wait3A = tpu.memref_slice %arg2[%mul3A_22] : memref<320000xi32, #tpu.memory_space<hbm>> -> memref<128xi32, #tpu.memory_space<hbm>>
        %dma_wait3A_29 = tpu.memref_slice %arg2[%mul3A_22] : memref<320000xi32, #tpu.memory_space<hbm>> -> memref<128xi32, #tpu.memory_space<hbm>>
        tpu.wait_dma2 semaphore(%run_scoped3A : memref<!tpu.dma_semaphore, #tpu.memory_space<semaphore_mem>>) src(%dma_wait3A_29 : memref<128xi32, #tpu.memory_space<hbm>>) dst(%arg7 : memref<128xi32, #tpu.memory_space<vmem>>)
        tpu.yield
      }) : () -> ()
      "tpu.region"() ({
        %run_scoped3A = tpu.sem_alloc : memref<!tpu.dma_semaphore, #tpu.memory_space<semaphore_mem>>
        %dma_start3A = tpu.memref_slice %arg3[%mul3A_22] : memref<320000xi32, #tpu.memory_space<hbm>> -> memref<128xi32, #tpu.memory_space<hbm>>
        %dma_start3A_28 = tpu.memref_slice %arg3[%mul3A_22] : memref<320000xi32, #tpu.memory_space<hbm>> -> memref<128xi32, #tpu.memory_space<hbm>>
        tpu.enqueue_dma source(%dma_start3A_28 : memref<128xi32, #tpu.memory_space<hbm>>) target(%arg8 : memref<128xi32, #tpu.memory_space<vmem>>) target_semaphore(%run_scoped3A : memref<!tpu.dma_semaphore, #tpu.memory_space<semaphore_mem>>)
        %dma_wait3A = tpu.memref_slice %arg3[%mul3A_22] : memref<320000xi32, #tpu.memory_space<hbm>> -> memref<128xi32, #tpu.memory_space<hbm>>
        %dma_wait3A_29 = tpu.memref_slice %arg3[%mul3A_22] : memref<320000xi32, #tpu.memory_space<hbm>> -> memref<128xi32, #tpu.memory_space<hbm>>
        tpu.wait_dma2 semaphore(%run_scoped3A : memref<!tpu.dma_semaphore, #tpu.memory_space<semaphore_mem>>) src(%dma_wait3A_29 : memref<128xi32, #tpu.memory_space<hbm>>) dst(%arg8 : memref<128xi32, #tpu.memory_space<vmem>>)
        tpu.yield
      }) : () -> ()
      %scan3A = arith.constant 0 : i32
      %scan3A_23 = arith.constant 0 : i32
      %scan3A_24 = arith.constant 8 : i32
      %scan3A_25 = arith.addi %scan3A_23, %scan3A_24 : i32
      %scan3A_26 = arith.constant 1 : i32
      scf.for %scan3A_28 = %scan3A_23 to %scan3A_25 step %scan3A_26  : i32 {
        %mul3A_29 = arith.constant 16 : i32
        %mul3A_30 = arith.muli %scan3A_28, %mul3A_29 : i32
        %get3A = arith.index_cast %mul3A_30 : i32 to index
        %get3A_31 = tpu.vector_load %arg7[%get3A] {strides = array<i32>} : memref<128xi32, #tpu.memory_space<vmem>>, vector<16xi32>,
        tpu.vector_store_idx %arg9[%get3A_31], %broadcast_in_dim3A_1 {add = true} : memref<10016xf32, #tpu.memory_space<vmem>>[vector<16xi32>], vector<16xf32>,
        %mul3A_32 = arith.constant 16 : i32
        %mul3A_33 = arith.muli %scan3A_28, %mul3A_32 : i32
        %get3A_34 = arith.index_cast %mul3A_33 : i32 to index
        %get3A_35 = tpu.vector_load %arg8[%get3A_34] {strides = array<i32>} : memref<128xi32, #tpu.memory_space<vmem>>, vector<16xi32>,
        tpu.vector_store_idx %arg10[%get3A_35], %broadcast_in_dim3A_1 {add = true} : memref<10016xf32, #tpu.memory_space<vmem>>[vector<16xi32>], vector<16xf32>,
      }
      %scan3A_27 = arith.constant 8 : i32
    }
    %while3A_12 = arith.constant 1 : i32
    scf.for %while3A_17 = %while3A_10 to %while3A_6 step %while3A_12  : i32 {
      %mul3A_18 = arith.constant 32 : i32
      %mul3A_19 = arith.muli %while3A_17, %mul3A_18 : i32
      %add3A_20 = arith.addi %add3A, %mul3A_19 : i32
      %mul3A_21 = arith.constant 128 : i32
      %mul3A_22 = arith.muli %add3A_20, %mul3A_21 : i32
      "tpu.region"() ({
        %run_scoped3A = tpu.sem_alloc : memref<!tpu.dma_semaphore, #tpu.memory_space<semaphore_mem>>
        %dma_start3A = tpu.memref_slice %arg2[%mul3A_22] : memref<320000xi32, #tpu.memory_space<hbm>> -> memref<128xi32, #tpu.memory_space<hbm>>
        %dma_start3A_28 = tpu.memref_slice %arg2[%mul3A_22] : memref<320000xi32, #tpu.memory_space<hbm>> -> memref<128xi32, #tpu.memory_space<hbm>>
        tpu.enqueue_dma source(%dma_start3A_28 : memref<128xi32, #tpu.memory_space<hbm>>) target(%arg7 : memref<128xi32, #tpu.memory_space<vmem>>) target_semaphore(%run_scoped3A : memref<!tpu.dma_semaphore, #tpu.memory_space<semaphore_mem>>)
        %dma_wait3A = tpu.memref_slice %arg2[%mul3A_22] : memref<320000xi32, #tpu.memory_space<hbm>> -> memref<128xi32, #tpu.memory_space<hbm>>
        %dma_wait3A_29 = tpu.memref_slice %arg2[%mul3A_22] : memref<320000xi32, #tpu.memory_space<hbm>> -> memref<128xi32, #tpu.memory_space<hbm>>
        tpu.wait_dma2 semaphore(%run_scoped3A : memref<!tpu.dma_semaphore, #tpu.memory_space<semaphore_mem>>) src(%dma_wait3A_29 : memref<128xi32, #tpu.memory_space<hbm>>) dst(%arg7 : memref<128xi32, #tpu.memory_space<vmem>>)
        tpu.yield
      }) : () -> ()
      "tpu.region"() ({
        %run_scoped3A = tpu.sem_alloc : memref<!tpu.dma_semaphore, #tpu.memory_space<semaphore_mem>>
        %dma_start3A = tpu.memref_slice %arg3[%mul3A_22] : memref<320000xi32, #tpu.memory_space<hbm>> -> memref<128xi32, #tpu.memory_space<hbm>>
        %dma_start3A_28 = tpu.memref_slice %arg3[%mul3A_22] : memref<320000xi32, #tpu.memory_space<hbm>> -> memref<128xi32, #tpu.memory_space<hbm>>
        tpu.enqueue_dma source(%dma_start3A_28 : memref<128xi32, #tpu.memory_space<hbm>>) target(%arg8 : memref<128xi32, #tpu.memory_space<vmem>>) target_semaphore(%run_scoped3A : memref<!tpu.dma_semaphore, #tpu.memory_space<semaphore_mem>>)
        %dma_wait3A = tpu.memref_slice %arg3[%mul3A_22] : memref<320000xi32, #tpu.memory_space<hbm>> -> memref<128xi32, #tpu.memory_space<hbm>>
        %dma_wait3A_29 = tpu.memref_slice %arg3[%mul3A_22] : memref<320000xi32, #tpu.memory_space<hbm>> -> memref<128xi32, #tpu.memory_space<hbm>>
        tpu.wait_dma2 semaphore(%run_scoped3A : memref<!tpu.dma_semaphore, #tpu.memory_space<semaphore_mem>>) src(%dma_wait3A_29 : memref<128xi32, #tpu.memory_space<hbm>>) dst(%arg8 : memref<128xi32, #tpu.memory_space<vmem>>)
        tpu.yield
      }) : () -> ()
      %scan3A = arith.constant 0 : i32
      %scan3A_23 = arith.constant 0 : i32
      %scan3A_24 = arith.constant 8 : i32
      %scan3A_25 = arith.addi %scan3A_23, %scan3A_24 : i32
      %scan3A_26 = arith.constant 1 : i32
      scf.for %scan3A_28 = %scan3A_23 to %scan3A_25 step %scan3A_26  : i32 {
        %mul3A_29 = arith.constant 16 : i32
        %mul3A_30 = arith.muli %scan3A_28, %mul3A_29 : i32
        %get3A = arith.index_cast %mul3A_30 : i32 to index
        %get3A_31 = tpu.vector_load %arg7[%get3A] {strides = array<i32>} : memref<128xi32, #tpu.memory_space<vmem>>, vector<16xi32>,
        tpu.vector_store_idx %arg9[%get3A_31], %broadcast_in_dim3A_1 {add = true} : memref<10016xf32, #tpu.memory_space<vmem>>[vector<16xi32>], vector<16xf32>,
        %mul3A_32 = arith.constant 16 : i32
        %mul3A_33 = arith.muli %scan3A_28, %mul3A_32 : i32
        %get3A_34 = arith.index_cast %mul3A_33 : i32 to index
        %get3A_35 = tpu.vector_load %arg8[%get3A_34] {strides = array<i32>} : memref<128xi32, #tpu.memory_space<vmem>>, vector<16xi32>,
        tpu.vector_store_idx %arg10[%get3A_35], %broadcast_in_dim3A_1 {add = true} : memref<10016xf32, #tpu.memory_space<vmem>>[vector<16xi32>], vector<16xf32>,
      }
      %scan3A_27 = arith.constant 8 : i32
    }
    %mul3A_13 = arith.constant 10016 : i32
    %mul3A_14 = arith.muli %add3A, %mul3A_13 : i32
    "tpu.region"() ({
      %run_scoped3A = tpu.sem_alloc : memref<!tpu.dma_semaphore, #tpu.memory_space<semaphore_mem>>
      %dma_start3A = tpu.memref_slice %arg5[%mul3A_14] : memref<320512xf32, #tpu.memory_space<hbm>> -> memref<10016xf32, #tpu.memory_space<hbm>>
      %dma_start3A_17 = tpu.memref_slice %arg5[%mul3A_14] : memref<320512xf32, #tpu.memory_space<hbm>> -> memref<10016xf32, #tpu.memory_space<hbm>>
      tpu.enqueue_dma source(%arg9 : memref<10016xf32, #tpu.memory_space<vmem>>) target(%dma_start3A_17 : memref<10016xf32, #tpu.memory_space<hbm>>) target_semaphore(%run_scoped3A : memref<!tpu.dma_semaphore, #tpu.memory_space<semaphore_mem>>)
      %dma_wait3A = tpu.memref_slice %arg5[%mul3A_14] : memref<320512xf32, #tpu.memory_space<hbm>> -> memref<10016xf32, #tpu.memory_space<hbm>>
      %dma_wait3A_18 = tpu.memref_slice %arg5[%mul3A_14] : memref<320512xf32, #tpu.memory_space<hbm>> -> memref<10016xf32, #tpu.memory_space<hbm>>
      tpu.wait_dma2 semaphore(%run_scoped3A : memref<!tpu.dma_semaphore, #tpu.memory_space<semaphore_mem>>) src(%arg9 : memref<10016xf32, #tpu.memory_space<vmem>>) dst(%dma_wait3A_18 : memref<10016xf32, #tpu.memory_space<hbm>>)
      tpu.yield
    }) : () -> ()
    %mul3A_15 = arith.constant 10016 : i32
    %mul3A_16 = arith.muli %add3A, %mul3A_15 : i32
    "tpu.region"() ({
      %run_scoped3A = tpu.sem_alloc : memref<!tpu.dma_semaphore, #tpu.memory_space<semaphore_mem>>
      %dma_start3A = tpu.memref_slice %arg6[%mul3A_16] : memref<320512xf32, #tpu.memory_space<hbm>> -> memref<10016xf32, #tpu.memory_space<hbm>>
      %dma_start3A_17 = tpu.memref_slice %arg6[%mul3A_16] : memref<320512xf32, #tpu.memory_space<hbm>> -> memref<10016xf32, #tpu.memory_space<hbm>>
      tpu.enqueue_dma source(%arg10 : memref<10016xf32, #tpu.memory_space<vmem>>) target(%dma_start3A_17 : memref<10016xf32, #tpu.memory_space<hbm>>) target_semaphore(%run_scoped3A : memref<!tpu.dma_semaphore, #tpu.memory_space<semaphore_mem>>)
      %dma_wait3A = tpu.memref_slice %arg6[%mul3A_16] : memref<320512xf32, #tpu.memory_space<hbm>> -> memref<10016xf32, #tpu.memory_space<hbm>>
      %dma_wait3A_18 = tpu.memref_slice %arg6[%mul3A_16] : memref<320512xf32, #tpu.memory_space<hbm>> -> memref<10016xf32, #tpu.memory_space<hbm>>
      tpu.wait_dma2 semaphore(%run_scoped3A : memref<!tpu.dma_semaphore, #tpu.memory_space<semaphore_mem>>) src(%arg10 : memref<10016xf32, #tpu.memory_space<vmem>>) dst(%dma_wait3A_18 : memref<10016xf32, #tpu.memory_space<hbm>>)
      tpu.yield
    }) : () -> ()
    return
  }
}

#map = affine_map<(d0, d1) -> (0)>
#map1 = affine_map<(d0, d1) -> (0, 0)>
module attributes {stable_mosaic.version = 14 : i64} {
  func.func @_agg_body(%arg0: i32, %arg1: i32, %arg2: memref<320000xi32, #tpu.memory_space<hbm>>, %arg3: memref<320000xi32, #tpu.memory_space<hbm>>, %arg4: memref<10000xi32, #tpu.memory_space<hbm>>, %arg5: memref<10000x128xf32, #tpu.memory_space<hbm>>, %arg6: memref<626x128xf32, #tpu.memory_space<hbm>>, %arg7: memref<10000x128xf32, #tpu.memory_space<hbm>>, %arg8: memref<10000x128xf32, #tpu.memory_space<hbm>>, %arg9: memref<128xi32, #tpu.memory_space<vmem>>, %arg10: memref<128xi32, #tpu.memory_space<vmem>>, %arg11: memref<128xi32, #tpu.memory_space<vmem>>, %arg12: memref<128x128xf32, #tpu.memory_space<vmem>>, %arg13: memref<10000xi32, #tpu.memory_space<vmem>>, %arg14: memref<10016x128xf32, #tpu.memory_space<vmem_shared>>, %arg15: memref<!tpu.dma_semaphore, #tpu.memory_space<semaphore_mem>>) attributes {dimension_semantics = [#tpu.dimension_semantics<core_parallel>, #tpu.dimension_semantics<subcore_parallel>], iteration_bounds = array<i64: 2, 16>, scalar_prefetch = 0 : i64, scratch_operands = 7 : i64, tpu.core_type = #tpu.core_type<sc_vector_subcore>, window_params = [{transform_indices = #map}, {transform_indices = #map}, {transform_indices = #map}, {transform_indices = #map1}, {transform_indices = #map1}, {transform_indices = #map1}, {transform_indices = #map1}]} {
    %mul3A = arith.constant 2 : i32
    %mul3A_0 = arith.muli %arg1, %mul3A : i32
    %add3A = arith.addi %mul3A_0, %arg0 : i32
    "tpu.region"() ({
      %run_scoped3A = tpu.sem_alloc : memref<!tpu.dma_semaphore, #tpu.memory_space<semaphore_mem>>
      tpu.enqueue_dma source(%arg4 : memref<10000xi32, #tpu.memory_space<hbm>>) target(%arg13 : memref<10000xi32, #tpu.memory_space<vmem>>) target_semaphore(%run_scoped3A : memref<!tpu.dma_semaphore, #tpu.memory_space<semaphore_mem>>)
      tpu.wait_dma2 semaphore(%run_scoped3A : memref<!tpu.dma_semaphore, #tpu.memory_space<semaphore_mem>>) src(%arg4 : memref<10000xi32, #tpu.memory_space<hbm>>) dst(%arg13 : memref<10000xi32, #tpu.memory_space<vmem>>)
      tpu.yield
    }) : () -> ()
    %mul3A_1 = arith.constant 626 : i32
    %mul3A_2 = arith.muli %arg1, %mul3A_1 : i32
    "tpu.region"() ({
      %run_scoped3A = tpu.sem_alloc : memref<!tpu.dma_semaphore, #tpu.memory_space<semaphore_mem>>
      %dma_start3A = arith.constant 0 : i32
      %dma_start3A_24 = tpu.memref_slice %arg14[%mul3A_2, %dma_start3A] : memref<10016x128xf32, #tpu.memory_space<vmem_shared>> -> memref<626x128xf32, #tpu.memory_space<vmem_shared>>
      tpu.enqueue_dma source(%arg6 : memref<626x128xf32, #tpu.memory_space<hbm>>) target(%dma_start3A_24 : memref<626x128xf32, #tpu.memory_space<vmem_shared>>) target_semaphore(%run_scoped3A : memref<!tpu.dma_semaphore, #tpu.memory_space<semaphore_mem>>)
      %dma_wait3A = arith.constant 0 : i32
      %dma_wait3A_25 = tpu.memref_slice %arg14[%mul3A_2, %dma_wait3A] : memref<10016x128xf32, #tpu.memory_space<vmem_shared>> -> memref<626x128xf32, #tpu.memory_space<vmem_shared>>
      tpu.wait_dma2 semaphore(%run_scoped3A : memref<!tpu.dma_semaphore, #tpu.memory_space<semaphore_mem>>) src(%arg6 : memref<626x128xf32, #tpu.memory_space<hbm>>) dst(%dma_wait3A_25 : memref<626x128xf32, #tpu.memory_space<vmem_shared>>)
      tpu.yield
    }) : () -> ()
    %barrier3A = arith.constant 0 : index
    tpu.barrier barrier_id(%barrier3A)
    %lt3A = arith.constant 4 : i32
    %lt3A_3 = arith.cmpi slt, %add3A, %lt3A : i32
    %jit3A = arith.constant 79 : i32
    %jit3A_4 = arith.constant 78 : i32
    %select_n3A = arith.select %lt3A_3, %jit3A, %jit3A_4 : i32
    %while3A = arith.constant 0 : i32
    %while3A_5 = arith.constant 0 : i32
    %while3A_6 = arith.subi %select_n3A, %while3A_5 : i32
    %while3A_7 = arith.addi %while3A_5, %while3A_6 : i32
    %while3A_8 = arith.constant 1 : i32
    %while3A_9 = arith.divsi %while3A_6, %while3A_8 : i32
    %while3A_10 = arith.muli %while3A_9, %while3A_8 : i32
    %while3A_11 = arith.addi %while3A_5, %while3A_10 : i32
    %while3A_12 = arith.constant 1 : i32
    scf.for %while3A_24 = %while3A_5 to %while3A_11 step %while3A_12  : i32 {
      %mul3A_25 = arith.constant 32 : i32
      %mul3A_26 = arith.muli %while3A_24, %mul3A_25 : i32
      %add3A_27 = arith.addi %add3A, %mul3A_26 : i32
      %mul3A_28 = arith.constant 128 : i32
      %mul3A_29 = arith.muli %add3A_27, %mul3A_28 : i32
      "tpu.region"() ({
        %run_scoped3A = tpu.sem_alloc : memref<!tpu.dma_semaphore, #tpu.memory_space<semaphore_mem>>
        %dma_start3A_39 = tpu.memref_slice %arg3[%mul3A_29] : memref<320000xi32, #tpu.memory_space<hbm>> -> memref<128xi32, #tpu.memory_space<hbm>>
        %dma_start3A_40 = tpu.memref_slice %arg3[%mul3A_29] : memref<320000xi32, #tpu.memory_space<hbm>> -> memref<128xi32, #tpu.memory_space<hbm>>
        tpu.enqueue_dma source(%dma_start3A_40 : memref<128xi32, #tpu.memory_space<hbm>>) target(%arg10 : memref<128xi32, #tpu.memory_space<vmem>>) target_semaphore(%run_scoped3A : memref<!tpu.dma_semaphore, #tpu.memory_space<semaphore_mem>>)
        %dma_wait3A_41 = tpu.memref_slice %arg3[%mul3A_29] : memref<320000xi32, #tpu.memory_space<hbm>> -> memref<128xi32, #tpu.memory_space<hbm>>
        %dma_wait3A_42 = tpu.memref_slice %arg3[%mul3A_29] : memref<320000xi32, #tpu.memory_space<hbm>> -> memref<128xi32, #tpu.memory_space<hbm>>
        tpu.wait_dma2 semaphore(%run_scoped3A : memref<!tpu.dma_semaphore, #tpu.memory_space<semaphore_mem>>) src(%dma_wait3A_42 : memref<128xi32, #tpu.memory_space<hbm>>) dst(%arg10 : memref<128xi32, #tpu.memory_space<vmem>>)
        tpu.yield
      }) : () -> ()
      %dma_start3A = arith.constant 0 : i32
      %dma_start3A_30 = arith.constant 0 : i32
      %dma_start3A_31 = tpu.memref_slice %arg5[%dma_start3A, %dma_start3A_30] : memref<10000x128xf32, #tpu.memory_space<hbm>> -> memref<10000x128xf32, #tpu.memory_space<hbm>>
      tpu.enqueue_indirect_dma source(%dma_start3A_31 : memref<10000x128xf32, #tpu.memory_space<hbm>>) target(%arg12 : memref<128x128xf32, #tpu.memory_space<vmem>>) offsets(%arg10 : memref<128xi32, #tpu.memory_space<vmem>>) semaphore(%arg15 : memref<!tpu.dma_semaphore, #tpu.memory_space<semaphore_mem>>)
      "tpu.region"() ({
        %run_scoped3A = tpu.sem_alloc : memref<!tpu.dma_semaphore, #tpu.memory_space<semaphore_mem>>
        %dma_start3A_39 = tpu.memref_slice %arg2[%mul3A_29] : memref<320000xi32, #tpu.memory_space<hbm>> -> memref<128xi32, #tpu.memory_space<hbm>>
        %dma_start3A_40 = tpu.memref_slice %arg2[%mul3A_29] : memref<320000xi32, #tpu.memory_space<hbm>> -> memref<128xi32, #tpu.memory_space<hbm>>
        tpu.enqueue_dma source(%dma_start3A_40 : memref<128xi32, #tpu.memory_space<hbm>>) target(%arg9 : memref<128xi32, #tpu.memory_space<vmem>>) target_semaphore(%run_scoped3A : memref<!tpu.dma_semaphore, #tpu.memory_space<semaphore_mem>>)
        %dma_wait3A_41 = tpu.memref_slice %arg2[%mul3A_29] : memref<320000xi32, #tpu.memory_space<hbm>> -> memref<128xi32, #tpu.memory_space<hbm>>
        %dma_wait3A_42 = tpu.memref_slice %arg2[%mul3A_29] : memref<320000xi32, #tpu.memory_space<hbm>> -> memref<128xi32, #tpu.memory_space<hbm>>
        tpu.wait_dma2 semaphore(%run_scoped3A : memref<!tpu.dma_semaphore, #tpu.memory_space<semaphore_mem>>) src(%dma_wait3A_42 : memref<128xi32, #tpu.memory_space<hbm>>) dst(%arg9 : memref<128xi32, #tpu.memory_space<vmem>>)
        tpu.yield
      }) : () -> ()
      %scan3A = arith.constant 0 : i32
      %scan3A_32 = arith.constant 0 : i32
      %scan3A_33 = arith.constant 8 : i32
      %scan3A_34 = arith.addi %scan3A_32, %scan3A_33 : i32
      %scan3A_35 = arith.constant 1 : i32
      scf.for %scan3A_39 = %scan3A_32 to %scan3A_34 step %scan3A_35  : i32 {
        %mul3A_40 = arith.constant 16 : i32
        %mul3A_41 = arith.muli %scan3A_39, %mul3A_40 : i32
        %get3A = arith.index_cast %mul3A_41 : i32 to index
        %get3A_42 = tpu.vector_load %arg9[%get3A] {strides = array<i32>} : memref<128xi32, #tpu.memory_space<vmem>>, vector<16xi32>,
        %gather3A = tpu.vector_load_idx %arg13[%get3A_42] : memref<10000xi32, #tpu.memory_space<vmem>>[vector<16xi32>], vector<16xi32>,
        %mul3A_43 = arith.constant 16 : i32
        %mul3A_44 = arith.muli %scan3A_39, %mul3A_43 : i32
        %swap3A = arith.index_cast %mul3A_44 : i32 to index
        %swap3A_45 = tpu.vector_load %arg11[%swap3A] {strides = array<i32>} : memref<128xi32, #tpu.memory_space<vmem>>, vector<16xi32>,
        tpu.vector_store %arg11[%swap3A], %gather3A {strides = array<i32>} : memref<128xi32, #tpu.memory_space<vmem>>, vector<16xi32>,
      }
      %scan3A_36 = arith.constant 8 : i32
      %dma_wait3A = arith.constant 0 : i32
      %dma_wait3A_37 = arith.constant 0 : i32
      %dma_wait3A_38 = tpu.memref_slice %arg5[%dma_wait3A, %dma_wait3A_37] : memref<10000x128xf32, #tpu.memory_space<hbm>> -> memref<10000x128xf32, #tpu.memory_space<hbm>>
      tpu.wait_indirect_dma semaphore(%arg15 : memref<!tpu.dma_semaphore, #tpu.memory_space<semaphore_mem>>) src(%dma_wait3A_38 : memref<10000x128xf32, #tpu.memory_space<hbm>>) dst(%arg12 : memref<128x128xf32, #tpu.memory_space<vmem>>)
      "tpu.region"() ({
        %run_scoped3A = tpu.sem_alloc : memref<!tpu.dma_semaphore, #tpu.memory_space<semaphore_mem>>
        %dma_start3A_39 = arith.constant 0 : i32
        %dma_start3A_40 = arith.constant 0 : i32
        %dma_start3A_41 = tpu.memref_slice %arg14[%dma_start3A_39, %dma_start3A_40] : memref<10016x128xf32, #tpu.memory_space<vmem_shared>> -> memref<10016x128xf32, #tpu.memory_space<vmem_shared>>
        tpu.enqueue_indirect_dma source(%arg12 : memref<128x128xf32, #tpu.memory_space<vmem>>) target(%dma_start3A_41 : memref<10016x128xf32, #tpu.memory_space<vmem_shared>>) offsets(%arg11 : memref<128xi32, #tpu.memory_space<vmem>>) semaphore(%run_scoped3A : memref<!tpu.dma_semaphore, #tpu.memory_space<semaphore_mem>>) {add = true}
        %dma_wait3A_42 = arith.constant 0 : i32
        %dma_wait3A_43 = arith.constant 0 : i32
        %dma_wait3A_44 = tpu.memref_slice %arg14[%dma_wait3A_42, %dma_wait3A_43] : memref<10016x128xf32, #tpu.memory_space<vmem_shared>> -> memref<10016x128xf32, #tpu.memory_space<vmem_shared>>
        tpu.wait_indirect_dma semaphore(%run_scoped3A : memref<!tpu.dma_semaphore, #tpu.memory_space<semaphore_mem>>) src(%arg12 : memref<128x128xf32, #tpu.memory_space<vmem>>) dst(%dma_wait3A_44 : memref<10016x128xf32, #tpu.memory_space<vmem_shared>>)
        tpu.yield
      }) : () -> ()
    }
    %while3A_13 = arith.constant 1 : i32
    scf.for %while3A_24 = %while3A_11 to %while3A_7 step %while3A_13  : i32 {
      %mul3A_25 = arith.constant 32 : i32
      %mul3A_26 = arith.muli %while3A_24, %mul3A_25 : i32
      %add3A_27 = arith.addi %add3A, %mul3A_26 : i32
      %mul3A_28 = arith.constant 128 : i32
      %mul3A_29 = arith.muli %add3A_27, %mul3A_28 : i32
      "tpu.region"() ({
        %run_scoped3A = tpu.sem_alloc : memref<!tpu.dma_semaphore, #tpu.memory_space<semaphore_mem>>
        %dma_start3A_39 = tpu.memref_slice %arg3[%mul3A_29] : memref<320000xi32, #tpu.memory_space<hbm>> -> memref<128xi32, #tpu.memory_space<hbm>>
        %dma_start3A_40 = tpu.memref_slice %arg3[%mul3A_29] : memref<320000xi32, #tpu.memory_space<hbm>> -> memref<128xi32, #tpu.memory_space<hbm>>
        tpu.enqueue_dma source(%dma_start3A_40 : memref<128xi32, #tpu.memory_space<hbm>>) target(%arg10 : memref<128xi32, #tpu.memory_space<vmem>>) target_semaphore(%run_scoped3A : memref<!tpu.dma_semaphore, #tpu.memory_space<semaphore_mem>>)
        %dma_wait3A_41 = tpu.memref_slice %arg3[%mul3A_29] : memref<320000xi32, #tpu.memory_space<hbm>> -> memref<128xi32, #tpu.memory_space<hbm>>
        %dma_wait3A_42 = tpu.memref_slice %arg3[%mul3A_29] : memref<320000xi32, #tpu.memory_space<hbm>> -> memref<128xi32, #tpu.memory_space<hbm>>
        tpu.wait_dma2 semaphore(%run_scoped3A : memref<!tpu.dma_semaphore, #tpu.memory_space<semaphore_mem>>) src(%dma_wait3A_42 : memref<128xi32, #tpu.memory_space<hbm>>) dst(%arg10 : memref<128xi32, #tpu.memory_space<vmem>>)
        tpu.yield
      }) : () -> ()
      %dma_start3A = arith.constant 0 : i32
      %dma_start3A_30 = arith.constant 0 : i32
      %dma_start3A_31 = tpu.memref_slice %arg5[%dma_start3A, %dma_start3A_30] : memref<10000x128xf32, #tpu.memory_space<hbm>> -> memref<10000x128xf32, #tpu.memory_space<hbm>>
      tpu.enqueue_indirect_dma source(%dma_start3A_31 : memref<10000x128xf32, #tpu.memory_space<hbm>>) target(%arg12 : memref<128x128xf32, #tpu.memory_space<vmem>>) offsets(%arg10 : memref<128xi32, #tpu.memory_space<vmem>>) semaphore(%arg15 : memref<!tpu.dma_semaphore, #tpu.memory_space<semaphore_mem>>)
      "tpu.region"() ({
        %run_scoped3A = tpu.sem_alloc : memref<!tpu.dma_semaphore, #tpu.memory_space<semaphore_mem>>
        %dma_start3A_39 = tpu.memref_slice %arg2[%mul3A_29] : memref<320000xi32, #tpu.memory_space<hbm>> -> memref<128xi32, #tpu.memory_space<hbm>>
        %dma_start3A_40 = tpu.memref_slice %arg2[%mul3A_29] : memref<320000xi32, #tpu.memory_space<hbm>> -> memref<128xi32, #tpu.memory_space<hbm>>
        tpu.enqueue_dma source(%dma_start3A_40 : memref<128xi32, #tpu.memory_space<hbm>>) target(%arg9 : memref<128xi32, #tpu.memory_space<vmem>>) target_semaphore(%run_scoped3A : memref<!tpu.dma_semaphore, #tpu.memory_space<semaphore_mem>>)
        %dma_wait3A_41 = tpu.memref_slice %arg2[%mul3A_29] : memref<320000xi32, #tpu.memory_space<hbm>> -> memref<128xi32, #tpu.memory_space<hbm>>
        %dma_wait3A_42 = tpu.memref_slice %arg2[%mul3A_29] : memref<320000xi32, #tpu.memory_space<hbm>> -> memref<128xi32, #tpu.memory_space<hbm>>
        tpu.wait_dma2 semaphore(%run_scoped3A : memref<!tpu.dma_semaphore, #tpu.memory_space<semaphore_mem>>) src(%dma_wait3A_42 : memref<128xi32, #tpu.memory_space<hbm>>) dst(%arg9 : memref<128xi32, #tpu.memory_space<vmem>>)
        tpu.yield
      }) : () -> ()
      %scan3A = arith.constant 0 : i32
      %scan3A_32 = arith.constant 0 : i32
      %scan3A_33 = arith.constant 8 : i32
      %scan3A_34 = arith.addi %scan3A_32, %scan3A_33 : i32
      %scan3A_35 = arith.constant 1 : i32
      scf.for %scan3A_39 = %scan3A_32 to %scan3A_34 step %scan3A_35  : i32 {
        %mul3A_40 = arith.constant 16 : i32
        %mul3A_41 = arith.muli %scan3A_39, %mul3A_40 : i32
        %get3A = arith.index_cast %mul3A_41 : i32 to index
        %get3A_42 = tpu.vector_load %arg9[%get3A] {strides = array<i32>} : memref<128xi32, #tpu.memory_space<vmem>>, vector<16xi32>,
        %gather3A = tpu.vector_load_idx %arg13[%get3A_42] : memref<10000xi32, #tpu.memory_space<vmem>>[vector<16xi32>], vector<16xi32>,
        %mul3A_43 = arith.constant 16 : i32
        %mul3A_44 = arith.muli %scan3A_39, %mul3A_43 : i32
        %swap3A = arith.index_cast %mul3A_44 : i32 to index
        %swap3A_45 = tpu.vector_load %arg11[%swap3A] {strides = array<i32>} : memref<128xi32, #tpu.memory_space<vmem>>, vector<16xi32>,
        tpu.vector_store %arg11[%swap3A], %gather3A {strides = array<i32>} : memref<128xi32, #tpu.memory_space<vmem>>, vector<16xi32>,
      }
      %scan3A_36 = arith.constant 8 : i32
      %dma_wait3A = arith.constant 0 : i32
      %dma_wait3A_37 = arith.constant 0 : i32
      %dma_wait3A_38 = tpu.memref_slice %arg5[%dma_wait3A, %dma_wait3A_37] : memref<10000x128xf32, #tpu.memory_space<hbm>> -> memref<10000x128xf32, #tpu.memory_space<hbm>>
      tpu.wait_indirect_dma semaphore(%arg15 : memref<!tpu.dma_semaphore, #tpu.memory_space<semaphore_mem>>) src(%dma_wait3A_38 : memref<10000x128xf32, #tpu.memory_space<hbm>>) dst(%arg12 : memref<128x128xf32, #tpu.memory_space<vmem>>)
      "tpu.region"() ({
        %run_scoped3A = tpu.sem_alloc : memref<!tpu.dma_semaphore, #tpu.memory_space<semaphore_mem>>
        %dma_start3A_39 = arith.constant 0 : i32
        %dma_start3A_40 = arith.constant 0 : i32
        %dma_start3A_41 = tpu.memref_slice %arg14[%dma_start3A_39, %dma_start3A_40] : memref<10016x128xf32, #tpu.memory_space<vmem_shared>> -> memref<10016x128xf32, #tpu.memory_space<vmem_shared>>
        tpu.enqueue_indirect_dma source(%arg12 : memref<128x128xf32, #tpu.memory_space<vmem>>) target(%dma_start3A_41 : memref<10016x128xf32, #tpu.memory_space<vmem_shared>>) offsets(%arg11 : memref<128xi32, #tpu.memory_space<vmem>>) semaphore(%run_scoped3A : memref<!tpu.dma_semaphore, #tpu.memory_space<semaphore_mem>>) {add = true}
        %dma_wait3A_42 = arith.constant 0 : i32
        %dma_wait3A_43 = arith.constant 0 : i32
        %dma_wait3A_44 = tpu.memref_slice %arg14[%dma_wait3A_42, %dma_wait3A_43] : memref<10016x128xf32, #tpu.memory_space<vmem_shared>> -> memref<10016x128xf32, #tpu.memory_space<vmem_shared>>
        tpu.wait_indirect_dma semaphore(%run_scoped3A : memref<!tpu.dma_semaphore, #tpu.memory_space<semaphore_mem>>) src(%arg12 : memref<128x128xf32, #tpu.memory_space<vmem>>) dst(%dma_wait3A_44 : memref<10016x128xf32, #tpu.memory_space<vmem_shared>>)
        tpu.yield
      }) : () -> ()
    }
    %barrier3A_14 = arith.constant 0 : index
    tpu.barrier barrier_id(%barrier3A_14)
    %mul3A_15 = arith.constant 625 : i32
    %mul3A_16 = arith.muli %arg1, %mul3A_15 : i32
    %eq3A = arith.constant 0 : i32
    %eq3A_17 = arith.cmpi eq, %arg0, %eq3A : i32
    %convert_element_type3A = arith.extui %eq3A_17 : i1 to i32
    %cond3A = arith.constant 0 : i32
    %cond3A_18 = arith.cmpi ne, %convert_element_type3A, %cond3A : i32
    scf.if %cond3A_18 {
      "tpu.region"() ({
        %run_scoped3A = tpu.sem_alloc : memref<!tpu.dma_semaphore, #tpu.memory_space<semaphore_mem>>
        %dma_start3A = arith.constant 0 : i32
        %dma_start3A_24 = tpu.memref_slice %arg7[%mul3A_16, %dma_start3A] : memref<10000x128xf32, #tpu.memory_space<hbm>> -> memref<625x128xf32, #tpu.memory_space<hbm>>
        %dma_start3A_25 = arith.constant 0 : i32
        %dma_start3A_26 = tpu.memref_slice %arg14[%mul3A_16, %dma_start3A_25] : memref<10016x128xf32, #tpu.memory_space<vmem_shared>> -> memref<625x128xf32, #tpu.memory_space<vmem_shared>>
        tpu.enqueue_dma source(%dma_start3A_26 : memref<625x128xf32, #tpu.memory_space<vmem_shared>>) target(%dma_start3A_24 : memref<625x128xf32, #tpu.memory_space<hbm>>) target_semaphore(%run_scoped3A : memref<!tpu.dma_semaphore, #tpu.memory_space<semaphore_mem>>)
        %dma_wait3A = arith.constant 0 : i32
        %dma_wait3A_27 = tpu.memref_slice %arg7[%mul3A_16, %dma_wait3A] : memref<10000x128xf32, #tpu.memory_space<hbm>> -> memref<625x128xf32, #tpu.memory_space<hbm>>
        %dma_wait3A_28 = arith.constant 0 : i32
        %dma_wait3A_29 = tpu.memref_slice %arg14[%mul3A_16, %dma_wait3A_28] : memref<10016x128xf32, #tpu.memory_space<vmem_shared>> -> memref<625x128xf32, #tpu.memory_space<vmem_shared>>
        tpu.wait_dma2 semaphore(%run_scoped3A : memref<!tpu.dma_semaphore, #tpu.memory_space<semaphore_mem>>) src(%dma_wait3A_29 : memref<625x128xf32, #tpu.memory_space<vmem_shared>>) dst(%dma_wait3A_27 : memref<625x128xf32, #tpu.memory_space<hbm>>)
        tpu.yield
      }) : () -> ()
    } else {
    }
    %eq3A_19 = arith.constant 1 : i32
    %eq3A_20 = arith.cmpi eq, %arg0, %eq3A_19 : i32
    %convert_element_type3A_21 = arith.extui %eq3A_20 : i1 to i32
    %cond3A_22 = arith.constant 0 : i32
    %cond3A_23 = arith.cmpi ne, %convert_element_type3A_21, %cond3A_22 : i32
    scf.if %cond3A_23 {
      "tpu.region"() ({
        %run_scoped3A = tpu.sem_alloc : memref<!tpu.dma_semaphore, #tpu.memory_space<semaphore_mem>>
        %dma_start3A = arith.constant 0 : i32
        %dma_start3A_24 = tpu.memref_slice %arg8[%mul3A_16, %dma_start3A] : memref<10000x128xf32, #tpu.memory_space<hbm>> -> memref<625x128xf32, #tpu.memory_space<hbm>>
        %dma_start3A_25 = arith.constant 0 : i32
        %dma_start3A_26 = tpu.memref_slice %arg14[%mul3A_16, %dma_start3A_25] : memref<10016x128xf32, #tpu.memory_space<vmem_shared>> -> memref<625x128xf32, #tpu.memory_space<vmem_shared>>
        tpu.enqueue_dma source(%dma_start3A_26 : memref<625x128xf32, #tpu.memory_space<vmem_shared>>) target(%dma_start3A_24 : memref<625x128xf32, #tpu.memory_space<hbm>>) target_semaphore(%run_scoped3A : memref<!tpu.dma_semaphore, #tpu.memory_space<semaphore_mem>>)
        %dma_wait3A = arith.constant 0 : i32
        %dma_wait3A_27 = tpu.memref_slice %arg8[%mul3A_16, %dma_wait3A] : memref<10000x128xf32, #tpu.memory_space<hbm>> -> memref<625x128xf32, #tpu.memory_space<hbm>>
        %dma_wait3A_28 = arith.constant 0 : i32
        %dma_wait3A_29 = tpu.memref_slice %arg14[%mul3A_16, %dma_wait3A_28] : memref<10016x128xf32, #tpu.memory_space<vmem_shared>> -> memref<625x128xf32, #tpu.memory_space<vmem_shared>>
        tpu.wait_dma2 semaphore(%run_scoped3A : memref<!tpu.dma_semaphore, #tpu.memory_space<semaphore_mem>>) src(%dma_wait3A_29 : memref<625x128xf32, #tpu.memory_space<vmem_shared>>) dst(%dma_wait3A_27 : memref<625x128xf32, #tpu.memory_space<hbm>>)
        tpu.yield
      }) : () -> ()
    } else {
    }
    return
  }
}

module attributes {stable_mosaic.version = 14 : i64} {
  func.func @_dense_body(%arg0: i32, %arg1: memref<1000x128xf32, #tpu.memory_space<vmem>>, %arg2: memref<1000x128xf32, #tpu.memory_space<vmem>>, %arg3: memref<1000x128xf32, #tpu.memory_space<vmem>>, %arg4: memref<1000x1xf32, #tpu.memory_space<vmem>>, %arg5: memref<128x128xf32, #tpu.memory_space<vmem>>, %arg6: memref<128x128xf32, #tpu.memory_space<vmem>>, %arg7: memref<1x128xf32, #tpu.memory_space<vmem>>, %arg8: memref<1x128xf32, #tpu.memory_space<vmem>>, %arg9: memref<1x128xf32, #tpu.memory_space<vmem>>, %arg10: memref<128x128xf32, #tpu.memory_space<vmem>>, %arg11: memref<1x128xf32, #tpu.memory_space<vmem>>, %arg12: memref<1000x128xf32, #tpu.memory_space<vmem>>) attributes {dimension_semantics = [#tpu.dimension_semantics<arbitrary>], iteration_bounds = array<i64: 10>, scalar_prefetch = 0 : i64, scratch_operands = 0 : i64, tpu.core_type = #tpu.core_type<tc>, window_params = [{transform_indices = @transform_0, window_bounds = array<i64: 1000, 128>}, {transform_indices = @transform_1, window_bounds = array<i64: 1000, 128>}, {transform_indices = @transform_2, window_bounds = array<i64: 1000, 128>}, {transform_indices = @transform_3, window_bounds = array<i64: 1000, 1>}, {pipeline_mode = #tpu.pipeline_mode<synchronous>, transform_indices = @transform_4, window_bounds = array<i64: 128, 128>}, {pipeline_mode = #tpu.pipeline_mode<synchronous>, transform_indices = @transform_5, window_bounds = array<i64: 128, 128>}, {pipeline_mode = #tpu.pipeline_mode<synchronous>, transform_indices = @transform_6, window_bounds = array<i64: 1, 128>}, {pipeline_mode = #tpu.pipeline_mode<synchronous>, transform_indices = @transform_7, window_bounds = array<i64: 1, 128>}, {pipeline_mode = #tpu.pipeline_mode<synchronous>, transform_indices = @transform_8, window_bounds = array<i64: 1, 128>}, {pipeline_mode = #tpu.pipeline_mode<synchronous>, transform_indices = @transform_9, window_bounds = array<i64: 128, 128>}, {pipeline_mode = #tpu.pipeline_mode<synchronous>, transform_indices = @transform_10, window_bounds = array<i64: 1, 128>}, {transform_indices = @transform_11, window_bounds = array<i64: 1000, 128>}]} {
    %get3A = arith.constant 0 : index
    %get3A_0 = arith.constant 0 : index
    %get3A_1 = vector.load %arg4[%get3A, %get3A_0] : memref<1000x1xf32, #tpu.memory_space<vmem>>, vector<1000x1xf32>
    %max3A = arith.constant 1.000000e+00 : f32
    %max3A_2 = vector.broadcast %max3A : f32 to vector<1000x1xf32>
    %max3A_3 = arith.maximumf %get3A_1, %max3A_2 : vector<1000x1xf32>
    %get3A_4 = arith.constant 0 : index
    %get3A_5 = arith.constant 0 : index
    %get3A_6 = vector.load %arg1[%get3A_4, %get3A_5] : memref<1000x128xf32, #tpu.memory_space<vmem>>, vector<1000x128xf32>
    %get3A_7 = arith.constant 0 : index
    %get3A_8 = arith.constant 0 : index
    %get3A_9 = vector.load %arg2[%get3A_7, %get3A_8] : memref<1000x128xf32, #tpu.memory_space<vmem>>, vector<1000x128xf32>
    %add3A = arith.addf %get3A_6, %get3A_9 : vector<1000x128xf32>
    %div3A = vector.broadcast %max3A_3 : vector<1000x1xf32> to vector<1000x128xf32>
    %div3A_10 = arith.divf %add3A, %div3A : vector<1000x128xf32>
    %get3A_11 = arith.constant 0 : index
    %get3A_12 = arith.constant 0 : index
    %get3A_13 = vector.load %arg5[%get3A_11, %get3A_12] : memref<128x128xf32, #tpu.memory_space<vmem>>, vector<128x128xf32>
    %dot_general3A = arith.constant dense<0.000000e+00> : vector<1000x128xf32>
    %dot_general3A_14 = tpu.matmul %div3A_10, %get3A_13, %dot_general3A {dimension_numbers = #tpu.dot_dimension_numbers<[1], [0], [0], [1], [0, 0, 1, 1], [], []>, transpose_lhs_hint = false} : vector<1000x128xf32>, vector<128x128xf32>, vector<1000x128xf32> -> vector<1000x128xf32>
    %get3A_15 = arith.constant 0 : index
    %get3A_16 = arith.constant 0 : index
    %get3A_17 = vector.load %arg3[%get3A_15, %get3A_16] : memref<1000x128xf32, #tpu.memory_space<vmem>>, vector<1000x128xf32>
    %get3A_18 = arith.constant 0 : index
    %get3A_19 = arith.constant 0 : index
    %get3A_20 = vector.load %arg6[%get3A_18, %get3A_19] : memref<128x128xf32, #tpu.memory_space<vmem>>, vector<128x128xf32>
    %dot_general3A_21 = arith.constant dense<0.000000e+00> : vector<1000x128xf32>
    %dot_general3A_22 = tpu.matmul %get3A_17, %get3A_20, %dot_general3A_21 {dimension_numbers = #tpu.dot_dimension_numbers<[1], [0], [0], [1], [0, 0, 1, 1], [], []>, transpose_lhs_hint = false} : vector<1000x128xf32>, vector<128x128xf32>, vector<1000x128xf32> -> vector<1000x128xf32>
    %add3A_23 = arith.addf %dot_general3A_14, %dot_general3A_22 : vector<1000x128xf32>
    %get3A_24 = arith.constant 0 : index
    %get3A_25 = arith.constant 0 : index
    %get3A_26 = vector.load %arg7[%get3A_24, %get3A_25] : memref<1x128xf32, #tpu.memory_space<vmem>>, vector<1x128xf32>
    %add3A_27 = vector.broadcast %get3A_26 : vector<1x128xf32> to vector<1000x128xf32>
    %add3A_28 = arith.addf %add3A_23, %add3A_27 : vector<1000x128xf32>
    %max3A_29 = arith.constant 0.000000e+00 : f32
    %max3A_30 = vector.broadcast %max3A_29 : f32 to vector<1000x128xf32>
    %max3A_31 = arith.maximumf %add3A_28, %max3A_30 : vector<1000x128xf32>
    %reduce_sum3A = arith.constant dense<0.000000e+00> : vector<1000xf32>
    %reduce_sum3A_32 = vector.multi_reduction <add>, %max3A_31, %reduce_sum3A [1] : vector<1000x128xf32> to vector<1000xf32>
    %broadcast_in_dim3A = vector.shape_cast %reduce_sum3A_32 : vector<1000xf32> to vector<1000x1xf32>
    %div3A_33 = arith.constant 1.280000e+02 : f32
    %div3A_34 = vector.broadcast %div3A_33 : f32 to vector<1000x1xf32>
    %div3A_35 = arith.divf %broadcast_in_dim3A, %div3A_34 : vector<1000x1xf32>
    %sub3A = vector.broadcast %div3A_35 : vector<1000x1xf32> to vector<1000x128xf32>
    %sub3A_36 = arith.subf %max3A_31, %sub3A : vector<1000x128xf32>
    %sub3A_37 = vector.broadcast %div3A_35 : vector<1000x1xf32> to vector<1000x128xf32>
    %sub3A_38 = arith.subf %max3A_31, %sub3A_37 : vector<1000x128xf32>
    %mul3A = arith.mulf %sub3A_36, %sub3A_38 : vector<1000x128xf32>
    %reduce_sum3A_39 = arith.constant dense<0.000000e+00> : vector<1000xf32>
    %reduce_sum3A_40 = vector.multi_reduction <add>, %mul3A, %reduce_sum3A_39 [1] : vector<1000x128xf32> to vector<1000xf32>
    %broadcast_in_dim3A_41 = vector.shape_cast %reduce_sum3A_40 : vector<1000xf32> to vector<1000x1xf32>
    %div3A_42 = arith.constant 1.280000e+02 : f32
    %div3A_43 = vector.broadcast %div3A_42 : f32 to vector<1000x1xf32>
    %div3A_44 = arith.divf %broadcast_in_dim3A_41, %div3A_43 : vector<1000x1xf32>
    %sub3A_45 = vector.broadcast %div3A_35 : vector<1000x1xf32> to vector<1000x128xf32>
    %sub3A_46 = arith.subf %max3A_31, %sub3A_45 : vector<1000x128xf32>
    %add3A_47 = arith.constant 9.99999974E-6 : f32
    %add3A_48 = vector.broadcast %add3A_47 : f32 to vector<1000x1xf32>
    %add3A_49 = arith.addf %div3A_44, %add3A_48 : vector<1000x1xf32>
    %rsqrt3A = math.rsqrt %add3A_49 : vector<1000x1xf32>
    %mul3A_50 = vector.broadcast %rsqrt3A : vector<1000x1xf32> to vector<1000x128xf32>
    %mul3A_51 = arith.mulf %sub3A_46, %mul3A_50 : vector<1000x128xf32>
    %get3A_52 = arith.constant 0 : index
    %get3A_53 = arith.constant 0 : index
    %get3A_54 = vector.load %arg8[%get3A_52, %get3A_53] : memref<1x128xf32, #tpu.memory_space<vmem>>, vector<1x128xf32>
    %mul3A_55 = vector.broadcast %get3A_54 : vector<1x128xf32> to vector<1000x128xf32>
    %mul3A_56 = arith.mulf %mul3A_51, %mul3A_55 : vector<1000x128xf32>
    %get3A_57 = arith.constant 0 : index
    %get3A_58 = arith.constant 0 : index
    %get3A_59 = vector.load %arg9[%get3A_57, %get3A_58] : memref<1x128xf32, #tpu.memory_space<vmem>>, vector<1x128xf32>
    %add3A_60 = vector.broadcast %get3A_59 : vector<1x128xf32> to vector<1000x128xf32>
    %add3A_61 = arith.addf %mul3A_56, %add3A_60 : vector<1000x128xf32>
    %gt3A = arith.constant 0.000000e+00 : f32
    %gt3A_62 = vector.broadcast %gt3A : f32 to vector<1000x1xf32>
    %gt3A_63 = arith.cmpf ogt, %get3A_1, %gt3A_62 : vector<1000x1xf32>
    %get3A_64 = arith.constant 0 : index
    %get3A_65 = arith.constant 0 : index
    %get3A_66 = vector.load %arg3[%get3A_64, %get3A_65] : memref<1000x128xf32, #tpu.memory_space<vmem>>, vector<1000x128xf32>
    %broadcast_in_dim3A_67 = vector.shape_cast %gt3A_63 : vector<1000x1xi1> to vector<1000x1xi1>
    %broadcast_in_dim3A_68 = vector.broadcast %broadcast_in_dim3A_67 : vector<1000x1xi1> to vector<1000x128xi1>
    %select_n3A = arith.select %broadcast_in_dim3A_68, %add3A_61, %get3A_66 : vector<1000x128xi1>, vector<1000x128xf32>
    %get3A_69 = arith.constant 0 : index
    %get3A_70 = arith.constant 0 : index
    %get3A_71 = vector.load %arg10[%get3A_69, %get3A_70] : memref<128x128xf32, #tpu.memory_space<vmem>>, vector<128x128xf32>
    %dot_general3A_72 = arith.constant dense<0.000000e+00> : vector<1000x128xf32>
    %dot_general3A_73 = tpu.matmul %select_n3A, %get3A_71, %dot_general3A_72 {dimension_numbers = #tpu.dot_dimension_numbers<[1], [0], [0], [1], [0, 0, 1, 1], [], []>, transpose_lhs_hint = false} : vector<1000x128xf32>, vector<128x128xf32>, vector<1000x128xf32> -> vector<1000x128xf32>
    %get3A_74 = arith.constant 0 : index
    %get3A_75 = arith.constant 0 : index
    %get3A_76 = vector.load %arg11[%get3A_74, %get3A_75] : memref<1x128xf32, #tpu.memory_space<vmem>>, vector<1x128xf32>
    %add3A_77 = vector.broadcast %get3A_76 : vector<1x128xf32> to vector<1000x128xf32>
    %add3A_78 = arith.addf %dot_general3A_73, %add3A_77 : vector<1000x128xf32>
    %swap3A = arith.constant 0 : index
    %swap3A_79 = arith.constant 0 : index
    %swap3A_80 = vector.load %arg12[%swap3A, %swap3A_79] : memref<1000x128xf32, #tpu.memory_space<vmem>>, vector<1000x128xf32>
    tpu.vector_store %arg12[%swap3A, %swap3A_79], %add3A_78 {strides = array<i32>} : memref<1000x128xf32, #tpu.memory_space<vmem>>, vector<1000x128xf32>,
    return
  }
  func.func @transform_0(%arg0: i32) -> (i32, i32) {
    %c0_i32 = arith.constant 0 : i32
    %c0_i32_0 = arith.constant 0 : i32
    return %arg0, %c0_i32 : i32, i32
  }
  func.func @transform_1(%arg0: i32) -> (i32, i32) {
    %c0_i32 = arith.constant 0 : i32
    %c0_i32_0 = arith.constant 0 : i32
    return %arg0, %c0_i32 : i32, i32
  }
  func.func @transform_2(%arg0: i32) -> (i32, i32) {
    %c0_i32 = arith.constant 0 : i32
    %c0_i32_0 = arith.constant 0 : i32
    return %arg0, %c0_i32 : i32, i32
  }
  func.func @transform_3(%arg0: i32) -> (i32, i32) {
    %c0_i32 = arith.constant 0 : i32
    %c0_i32_0 = arith.constant 0 : i32
    return %arg0, %c0_i32 : i32, i32
  }
  func.func @transform_4(%arg0: i32) -> (i32, i32) {
    %c0_i32 = arith.constant 0 : i32
    %c0_i32_0 = arith.constant 0 : i32
    %c0_i32_1 = arith.constant 0 : i32
    return %c0_i32, %c0_i32_0 : i32, i32
  }
  func.func @transform_5(%arg0: i32) -> (i32, i32) {
    %c0_i32 = arith.constant 0 : i32
    %c0_i32_0 = arith.constant 0 : i32
    %c0_i32_1 = arith.constant 0 : i32
    return %c0_i32, %c0_i32_0 : i32, i32
  }
  func.func @transform_6(%arg0: i32) -> (i32, i32) {
    %c0_i32 = arith.constant 0 : i32
    %c0_i32_0 = arith.constant 0 : i32
    %c0_i32_1 = arith.constant 0 : i32
    return %c0_i32, %c0_i32_0 : i32, i32
  }
  func.func @transform_7(%arg0: i32) -> (i32, i32) {
    %c0_i32 = arith.constant 0 : i32
    %c0_i32_0 = arith.constant 0 : i32
    %c0_i32_1 = arith.constant 0 : i32
    return %c0_i32, %c0_i32_0 : i32, i32
  }
  func.func @transform_8(%arg0: i32) -> (i32, i32) {
    %c0_i32 = arith.constant 0 : i32
    %c0_i32_0 = arith.constant 0 : i32
    %c0_i32_1 = arith.constant 0 : i32
    return %c0_i32, %c0_i32_0 : i32, i32
  }
  func.func @transform_9(%arg0: i32) -> (i32, i32) {
    %c0_i32 = arith.constant 0 : i32
    %c0_i32_0 = arith.constant 0 : i32
    %c0_i32_1 = arith.constant 0 : i32
    return %c0_i32, %c0_i32_0 : i32, i32
  }
  func.func @transform_10(%arg0: i32) -> (i32, i32) {
    %c0_i32 = arith.constant 0 : i32
    %c0_i32_0 = arith.constant 0 : i32
    %c0_i32_1 = arith.constant 0 : i32
    return %c0_i32, %c0_i32_0 : i32, i32
  }
  func.func @transform_11(%arg0: i32) -> (i32, i32) {
    %c0_i32 = arith.constant 0 : i32
    %c0_i32_0 = arith.constant 0 : i32
    return %arg0, %c0_i32 : i32, i32
  }
}

</mosaic_0001>

<sc_bundles>
// kernel: gather_offload_async_start
scs
__scs_entry_jumppad:
0x0: {  	(pc) =	sbr.rel $0x88, $3  }
0x1: {  	(tag) =	ssettag $0x0;
	lr =	simm.s32 $0x1  }
0x2: {  	[smem:$0x3F94] =	sst lr;
	_ =	strace $0xD0000000  }
0x3: {  	_ = 	snop  }
0x4: {  	_ = 	snop  }
0x5: {  	_ = 	snop  }
0x6: {  	_ = 	snop  }
0x7: {  	_ = 	snop  }
__scs_overlays_trampoline_lowered:
0x8: {  	[smem:$0x3FA3] =	sst s0  }
0x9: {  	[smem:$0x3FA4] =	sst s1  }
0xa: {  	[smem:$0x3FA5] =	sst s2  }
0xb: {  	[smem:$0x3FA6] =	sst s3  }
0xc: {  	[smem:$0x3FA7] =	sst s4  }
0xd: {  	[smem:$0x3FA8] =	sst s5  }
0xe: {  	[smem:$0x3FA9] =	sst s6  }
0xf: {  	[smem:$0x3FAA] =	sst s7  }
0x10: {  	[smem:$0x3FAB] =	sst s8  }
0x11: {  	[smem:$0x3FAC] =	sst s9;
	s0 =	simm.s32 @!p0 $0x0  }
0x12: {  	s1 =	sld [smem:$0x3F92];
	s0 =	simm.s32 @p0 $0x1  }
0x13: {  	[smem:$0x3FAD] =	sst s0;
	s0 =	simm.s32 @!p1 $0x0  }
0x14: {  	s2 =	sld [smem:$0x3F91];
	s0 =	simm.s32 @p1 $0x1  }
0x15: {  	[smem:$0x3FAE] =	sst s0;
	s0 =	simm.s32 @!p2 $0x0  }
0x16: {  	s3 =	sld [smem:$0x3FDB];
	s0 =	simm.s32 @p2 $0x1  }
0x17: {  	s4 =	simm.s32 $0x1BF5;
	[smem:$0x3FB0] =	sst s0  }
0x18: {  	s0 =	sld [smem:$0x3F93];
	_ =	swait.ge [sflag:s4], $0x0  }
0x19: {  	s7 =	sld [smem:$0x3F94]  }
0x1a: {  	s8 =	sadd.s32 $0xFFFFE003, lr  }
0x1b: {  	s9 =	sadd.s32 $0xFFFFFEF7, lr;
	s5 =	simm.s32 $0xFFFFFFFF;
	p2 =	slt.u32 s8, $0xFFFFF086  }
0x1c: {  	p1 =	slt.u32 s9, $0xF7A;
	s5 =	simm.s32 @!p2 $0x0  }
0x1d: {  	s5 =	simm.s32 @p1 $0x1;
	p0 =	seq.s32 s7, s2  }
0x1e: {  	s7 =	smul.u32 @!p0 $0xF7A, s2;
	p2 =	seq.s32 @!p0 s5, $0x0  }
0x1f: {  	s9 =	smul.u32 $0xF7A, s1;
	s8 =	simm.s32 @!p0 $0x1BF5;
	p2 =	por !p2, p0  }
0x20: {  	[sflag:s8] =	ssyncset.s32 @!p0 $0xFFFFF086;
	s6 =	sadd.s32 @!p0 s3, s7;
	s7 =	simm.s32 @!p0 $0x108  }
0x21: {  	s3 =	sadd.s32 s3, s9;
	s6 =	sadd.s32 @!p0 $0x88, s6;
	s7 =	simm.s32 @p2 $0x1082  }
0x22: {  	[simem:s7], [sflag:s8] =	dma.local @!p0 [hbm:s6], $0xF7A  }
0x23: {  	s9 =	sor.u32 $0xD0000000, s2;
	s6 =	simm.s32 $0x108;
	_ =	swait.ge @!p0 [sflag:s8], $0x0  }
0x24: {  	s3 =	sadd.s32 $0x88, s3;
	s6 =	simm.s32 @!p1 $0x1082;
	[sflag:s4] =	ssyncset.s32 $0xFFFFF086  }
0x25: {  	[simem:s6], [sflag:s4] =	dma.local [hbm:s3], $0xF7A  }
0x26: {  	[smem:$0x3F94] =	sst s1;
	(tag) =	ssettag s2;
	_ =	strace s9  }
0x27: {  	s1 =	sld [smem:$0x3FA4]  }
0x28: {  	s2 =	sld [smem:$0x3FA5]  }
0x29: {  	s4 =	sld [smem:$0x3FA7]  }
0x2a: {  	p0 =	seq.s32 s5, $0x0;
	s5 =	sld [smem:$0x3FA8]  }
0x2b: {  	s6 =	sld [smem:$0x3FA9]  }
0x2c: {  	s7 =	sld [smem:$0x3FAA]  }
0x2d: {  	s3 =	simm.s32 $0x108;
	s8 =	sld [smem:$0x3FAB]  }
0x2e: {  	s3 =	simm.s32 @!p0 $0x1082;
	s9 =	sld [smem:$0x3FAC]  }
0x2f: {  	lr =	sadd.s32 s0, s3;
	s0 =	sld [smem:$0x3FA3]  }
0x30: {  	s3 =	sld [smem:$0x3FA6]  }
0x31: {  	[smem:$0x3FAF] =	sst s10  }
0x32: {  	s10 =	sld [smem:$0x3FAD];
	_ =	sdelay $0x3  }
0x33: {  	p0 =	seq.s32 s10, $0x1;
	s10 =	sld [smem:$0x3FAF];
	_ =	sdelay $0x3  }
0x34: {  	[smem:$0x3FAF] =	sst s10  }
0x35: {  	s10 =	sld [smem:$0x3FAE];
	_ =	sdelay $0x3  }
0x36: {  	p1 =	seq.s32 s10, $0x1;
	s10 =	sld [smem:$0x3FAF];
	_ =	sdelay $0x3  }
0x37: {  	[smem:$0x3FAF] =	sst s10  }
0x38: {  	s10 =	sld [smem:$0x3FB0]  }
0x39: {  	_ = 	snop;
	(pc) =	sbr.ind lr, $3  }
0x3a: {  	_ = 	snop  }
0x3b: {  	_ = 	snop  }
0x3c: {  	p2 =	seq.s32 s10, $0x1;
	s10 =	sld [smem:$0x3FAF]  }
0x3d: {  	_ =	shalt  }
0x3e: {  	_ =	shalt  }
0x3f: {  	_ =	shalt  }
0x40: {  	_ =	shalt  }
0x41: {  	_ =	shalt  }
0x42: {  	_ =	shalt  }
0x43: {  	_ =	shalt  }
0x44: {  	_ =	shalt  }
0x45: {  	_ =	shalt  }
0x46: {  	_ =	shalt  }
0x47: {  	_ =	shalt  }
0x48: {  	_ =	shalt  }
0x49: {  	_ =	shalt  }
0x4a: {  	_ =	shalt  }
0x4b: {  	_ =	shalt  }
0x4c: {  	_ =	shalt  }
0x4d: {  	_ =	shalt  }
0x4e: {  	_ =	shalt  }
0x4f: {  	_ =	shalt  }
0x50: {  	_ =	shalt  }
0x51: {  	_ =	shalt  }
0x52: {  	_ =	shalt  }
0x53: {  	_ =	shalt  }
0x54: {  	_ =	shalt  }
0x55: {  	_ =	shalt  }
0x56: {  	_ =	shalt  }
0x57: {  	_ =	shalt  }
0x58: {  	_ =	shalt  }
0x59: {  	_ =	shalt  }
0x5a: {  	_ =	shalt  }
0x5b: {  	_ =	shalt  }
0x5c: {  	_ =	shalt  }
0x5d: {  	_ =	shalt  }
0x5e: {  	_ =	shalt  }
0x5f: {  	_ =	shalt  }
0x60: {  	_ =	shalt  }
0x61: {  	_ =	shalt  }
0x62: {  	_ =	shalt  }
0x63: {  	_ =	shalt  }
0x64: {  	_ =	shalt  }
0x65: {  	_ =	shalt  }
0x66: {  	_ =	shalt  }
0x67: {  	_ =	shalt  }
0x68: {  	_ =	shalt  }
0x69: {  	_ =	shalt  }
0x6a: {  	_ =	shalt  }
0x6b: {  	_ =	shalt  }
0x6c: {  	_ =	shalt  }
0x6d: {  	_ =	shalt  }
0x6e: {  	_ =	shalt  }
0x6f: {  	_ =	shalt  }
0x70: {  	_ =	shalt  }
0x71: {  	_ =	shalt  }
0x72: {  	_ =	shalt  }
0x73: {  	_ =	shalt  }
0x74: {  	_ =	shalt  }
0x75: {  	_ =	shalt  }
0x76: {  	_ =	shalt  }
0x77: {  	_ =	shalt  }
0x78: {  	_ =	shalt  }
0x79: {  	_ =	shalt  }
0x7a: {  	_ =	shalt  }
0x7b: {  	_ =	shalt  }
0x7c: {  	_ =	shalt  }
0x7d: {  	_ =	shalt  }
0x7e: {  	_ =	shalt  }
0x7f: {  	_ =	shalt  }
0x80: {  	_ =	shalt  }
0x81: {  	_ =	shalt  }
0x82: {  	_ =	shalt  }
0x83: {  	_ =	shalt  }
0x84: {  	_ =	shalt  }
0x85: {  	_ =	shalt  }
0x86: {  	_ =	shalt  }
0x87: {  	_ =	shalt  }
.Lfunc_end0:
.L_simem_size_0:
called_computation_lowered:
.L_overlay_start_0:
0x88: {  	s0 =	sld [smem:$0x3FD9]  }
0x89: {  	s1 =	sld [smem:$0x3FFE];
	_ =	sdelay $0x3  }
0x8a: {  	s0 =	sadd.s32 s1, s0  }
0x8b: {  	[smem:$0x3FBB] =	sst s0  }
0x8c: {  	_ = 	snop  }
0x8d: {  	s0 =	sld [smem:$0x3FD0];
	(tm) =	ssettm $0x1  }
0x8e: {  	s16 =	sld [smem:$0x3FFB];
	_ =	sdelay $0x3  }
0x8f: {  	_ =	strace s16  }
0x90: {  	s1 =	sld [smem:$0x3FFC];
	_ =	sdelay $0x3  }
0x91: {  	_ =	strace s1  }
0x92: {  	s1 =	sld [smem:$0x3FFD];
	_ =	sdelay $0x3  }
0x93: {  	_ =	strace s1  }
0x94: {  	_ =	strace $0x8FFFFFFF  }
0x95: {  	s17 =	sld [smem:$0x3FDB];
	_ =	sdelay $0x1  }
0x96: {  	s2 =	simm.s32 $_scs_section_size  }
0x97: {  	s3 =	simm.s32 $_size__tile_overlayer_lowered;
	s4 =	simm.s32 $_tile_overlayer_lowered  }
0x98: {  	s20 =	simm.s32 $0x1BFF;
	s19 =	sshll.u32 s4, $0x1;
	s1 =	sadd.s32 s2, s17  }
0x99: {  	s5 =	simm.s32 $0x0;
	s18 =	sshll.u32 s3, $0x1;
	s3 =	sadd.s32 s19, s1  }
0x9a: {  	[timem:s5], [sflag:s20] =	dma.local [hbm:s3], s18  }
0x9b: {  	_ =	swait.ge [sflag:s20], s18  }
0x9c: {  	s2 =	ssub.s32 $0x0, s18;
	[sflag:s20] =	ssyncset.done $0x0  }
0x9d: {  	[sflag:s20] =	ssyncadd.s32 s2;
	_ =	sdelay $0x1  }
0x9e: {  	s21 =	simm.s32 $0x1B8B  }
0x9f: {  	_ =	swait.ge [sflag:s21], $0x1  }
0xa0: {  	[sflag:s21] =	ssyncset.done $0x0  }
0xa1: {  	s23 =	simm.s32 $0x1B8E;
	s22 =	sld [smem:$0x3FFE];
	[sflag:s21] =	ssyncadd.s32 $0xFFFFFFFF  }
0xa2: {  	s24 =	simm.s32 $execute0_lowered;
	[smem:$0x3FD2] =	sst s23  }
0xa3: {  	s3 =	sshll.u32 s24, $0x1;
	_ =	strace $0x80000049;
	[dreg:$0x1] =	wrdreg $0xFFFFFFFF  }
0xa4: {  	s25 =	simm.s32 $_size_execute0_lowered;
	s1 =	sadd.s32 s1, s3;
	[dreg:$0x0] =	wrdreg $0x0  }
0xa5: {  	s3 =	sshll.u32 s25, $0x1;
	[dreg:$0x2] =	wrdreg s1  }
0xa6: {  	[dreg:$0x3] =	wrdreg s3  }
0xa7: {  	[dreg:$0x4] =	wrdreg $0xC0  }
0xa8: {  	_ =	task [dreg:s5], $0x5FFFF  }
0xa9: {  	[dreg:$0x1] =	wrdreg $0xFFFFFFFF  }
0xaa: {  	[dreg:$0x0] =	wrdreg $0x60  }
0xab: {  	[dreg:$0x2] =	wrdreg s0  }
0xac: {  	[dreg:$0x3] =	wrdreg s22  }
0xad: {  	[dreg:$0x4] =	wrdreg $0x9  }
0xae: {  	_ =	task.clear_ibuf [dreg:s5], $0x5FFFF;
	_ =	strace $0x90000049  }
0xaf: {  	s26 =	simm.s32 $0x9;
	_ =	strace $0x8000004B  }
0xb0: {  	_ =	swait.ge [sflag:s26], $0x1  }
0xb1: {  	[sflag:s26] =	ssyncadd.s32 $0xFFFFFFFF  }
0xb2: {  	_ =	strace $0x9000004B  }
0xb3: {  	_ =	sfence  }
0xb4: {  	s28 =	sld [smem:$0x0];
	_ =	sdelay $0x1  }
0xb5: {  	s29 =	srdreg.scid  }
0xb6: {  	s30 =	sshll.u32 s29, $0xD;
	s31 =	sshrl.u32 s29, $0x2  }
0xb7: {  	s2 =	sand.u32 $0x4000, s30;
	s1 =	sand.u32 $0x1, s29;
	s0 =	sadd.s32 s31, s28  }
0xb8: {  	s1 =	sor.u32 s2, s1;
	s0 =	sshll.u32 s0, $0x11  }
0xb9: {  	s0 =	sor.u32 s0, s1  }
0xba: {  	s0 =	sadd.s32 $0x8F2B, s0  }
0xbb: {  	[sflag:s0] =	ssyncadd.remote.s32 $0x1  }
0xbc: {  	_ =	sfence.sel $0xFFFF  }
0xbd: {  	[dreg:$0x0] =	wrdreg $0xFFFFFFFF;
	(pc) =	sbr.abs _section_cstart, $3  }
0xbe: {  	[dreg:$0x1] =	wrdreg $0xFFFFFFFF  }
0xbf: {  	_ =	task.clear_ibuf [dreg:s5], $0x2FFFF;
	_ =	strace $0x9FFFFFFF  }
0xc0: {  	(tm) =	ssettm $0x7FFFFFFF  }
0xc1: {  	_ =	shalt  }
tec
execute0_lowered:
.L_overlay_start_1:
0x0: {  	(tag) =	ssettag $0x1  }
0x1: {  	s2 =	rddreg [dreg:$0x0]  }
0x2: {  	s8 =	rddreg [dreg:$0x1]  }
0x3: {  	s0 =	rddreg [dreg:$0x2]  }
0x4: {  	_ =	strace $0x8000004A;
	s4 =	simm.s32 $0x1;
	s1 =	stileid.u32  }
0x5: {  	s7 =	simm.s32 $0x1;
	s9 =	simm.s32 $0x1;
	s6 =	simm.s32 $0x2  }
0x6: {  	s10 =	simm.s32 $0x3;
	s13 =	simm.s32 $0x0;
	s12 =	simm.s32 $0x0  }
.Ltmp0:
0x7: {  	s3 =	sadd.s32 $0x13E00, s8;
	p0 =	slt.u32 s1, $0xA;
	(pc) =	sbr.rel .LBB2_1-.Ltmp0, $4  }
0x8: {  	[sflag:s4] =	ssyncpa.u1 $0x0;
	s7 =	simm.s32 @!p0 $0x0;
	p0 =	sne.s32 s1, $0x9  }
0x9: {  	s5 =	smul.u32 $0x190, s1;
	[sflag:s6] =	ssyncpa.u1 $0x0;
	s9 =	simm.s32 @!p0 $0x0  }
0xa: {  	s8 =	sadd.s32 $0x14400, s8;
	[sflag:s10] =	ssyncpa.u1 $0x0;
	s7 =	sadd.s32 s9, s7  }
0xb: {  	vm0 =	vmmov $0xffff;
	s10 =	simm.s32 $0x0;
	s11 =	smov.u32 s5;
	s9 =	sadd.s32 $0x1, s7  }
.LBB2_4:
0xc: {  	v2 =	vnsel vm1, $0x0, v2  }
0xd: {  	vm1 =	vgt.s32 v0, $0x0;
	v2 =	vmin.u32 v2, $0x270F  }
0xe: {  	v0 =	vnsel vm1, $0x0, v0  }
0xf: {  	v0 =	vmin.u32 v0, $0x270F  }
0x10: {  	[tilespmem:s18], [sflag:$0x1] =	stream.indirect_vreg.gather [hbm4b:s2+s10], $0x1, v1, vm0, $0x4038;
	[tilespmem:$0x640] =	vst v63  }
0x11: {  	(ifvalue) =	ssetifvalue $0x7FFFFFFF  }
0x12: {  	[tilespmem:s15], [sflag:$0x1] =	stream.indirect_vreg.gather [hbm4b:s2+s10], $0x1, v2, vm0, $0x4038;
	[tilespmem:$0x640] =	vst v63  }
0x13: {  	s29 =	sadd.s32 $0x10, s15;
	(ifvalue) =	ssetifvalue $0x7FFFFFFF  }
0x14: {  	[tilespmem:s29], [sflag:$0x1] =	stream.indirect_vreg.gather [hbm4b:s2+s10], $0x1, v0, vm0, $0x4038;
	[tilespmem:$0x640] =	vst v63  }
0x15: {  	_ =	swait.ge [sflag:s4], $0x190  }
0x16: {  	s30 =	sshrl.u32 s13, $0x3;
	[sflag:s4] =	ssyncset.done $0x0  }
0x17: {  	s31 =	sand.u32 $0x7, s13;
	s15 =	sadd.s32 s8, s30;
	[sflag:s4] =	ssyncadd.s32 $0xFFFFFE70  }
0x18: {  	[hbm4b:s15+s31] =	stream.linear.scatter [tilespmem:s14], [sflag:$0x3], $0x190, $0x38;
	[tilespmem:$0x640] =	vst v63  }
.LBB2_5:
0x19: {  	s15 =	sadd.s32 $0x1900, s11  }
0x1a: {  	p1 =	sgt.s32 s15, $0x270F  }
0x1b: {  	s15 =	smov.u32 @p1 s5;
	p1 =	sne.s32 s12, s9  }
.Ltmp1:
0x1c: {  	p0 =	slt.u32 s12, $0x2;
	(pc) =	sbr.rel @!p1 .LBB2_6-.Ltmp1, $4  }
0x1d: {  	s14 =	simm.s32 @!p0 $0x3  }
0x1e: {  	_ =	swait.ge @!p0 [sflag:s14], $0x190  }
0x1f: {  	s16 =	sadd.s32 $0x1, s12;
	s13 =	smov.u32 s11;
	[sflag:s14] =	ssyncset.done @!p0 $0x0  }
0x20: {  	s12 =	smov.u32 s16;
	s11 =	smov.u32 s15;
	[sflag:s14] =	ssyncadd.s32 @!p0 $0xFFFFFE70  }
.LBB2_1:
0x21: {  	p0 =	sge.u32 s12, s7  }
0x22: {  	s14 =	sxor.u32 @!p0 $0x1, s12  }
0x23: {  	s14 =	smul.u32 @!p0 $0x640, s14  }
0x24: {  	s31 =	sadd.s32 $0xFFFFFFFF, s12;
	s15 =	sshrl.u32 @!p0 s11, $0x3  }
0x25: {  	s16 =	sand.u32 @!p0 $0x7, s11;
	s15 =	sadd.s32 @!p0 s3, s15;
	s14 =	sshra.s32 @!p0 s14, $0x2  }
0x26: {  	[tilespmem:s14], [sflag:$0x2] =	stream.linear.gather @!p0 [hbm4b:s15+s16], $0x190, $0x38;
	[tilespmem:$0x640] =	vst v63  }
0x27: {  	p0 =	sge.u32 s31, s7  }
.Ltmp2:
0x28: {  	_ = 	snop;
	(pc) =	sbr.rel @p0 .LBB2_5-.Ltmp2, $1  }
0x29: {  	_ =	sdelay $0x3  }
0x2a: {  	s14 =	sand.u32 $0x1, s12  }
0x2b: {  	_ =	swait.ge [sflag:s6], $0x190;
	p0 =	seq.s32 s14, $0x1;
	s14 =	simm.s32 $0x190  }
0x2c: {  	[sflag:s6] =	ssyncset.done $0x0;
	s14 =	simm.s32 @!p0 $0x0  }
0x2d: {  	[sflag:s6] =	ssyncadd.s32 $0xFFFFFE70;
	(ifvalue) =	ssetifvalue $0x7FFFFFFF;
	v0 =	vld.msk [tilespmem:s14+$0x0 ss:$0x1], $0xffff;
	_ =	sdelay $0x4  }
0x2e: {  	s15 =	sadd.s32 $0x10, s14;
	vm1 =	vgt.s32 v0, $0x0  }
0x2f: {  	v2 =	vld.msk [tilespmem:s15+$0x0 ss:$0x1], $0xffff;
	v1 =	vnsel vm1, $0x0, v0  }
0x30: {  	v1 =	vmin.u32 v1, $0x270F;
	_ =	sdelay $0x2  }
0x31: {  	s17 =	simm.s32 $0x20;
	s14 =	sadd.s32 $0x320, s14;
	s16 =	sadd.s32 $0x10, s15  }
0x32: {  	s15 =	sadd.s32 $0x10, s14;
	s18 =	smov.u32 s14;
	v0 =	vld.msk [tilespmem:s16+$0x0 ss:$0x1], $0xffff;
	vm1 =	vgt.s32 v2, $0x0;
	(ifvalue) =	ssetifvalue $0x7FFFFFFF  }
.LBB2_3:
0x33: {  	[tilespmem:s18], [sflag:$0x1] =	stream.indirect_vreg.gather [hbm4b:s2+s10], $0x1, v1, vm0, $0x4038;
	[tilespmem:$0x640] =	vst v63  }
0x34: {  	s17 =	sadd.s32 $0x10, s17  }
0x35: {  	v2 =	vnsel vm1, $0x0, v2;
	p0 =	slt.u32 s17, $0x180  }
.Ltmp3:
0x36: {  	s18 =	smov.u32 s15;
	v1 =	vmin.u32 v2, $0x270F;
	(pc) =	sbr.rel @p0 .LBB2_3-.Ltmp3, $3  }
0x37: {  	_ =	sdelay $0x1  }
0x38: {  	s16 =	sadd.s32 $0x10, s16  }
0x39: {  	vm1 =	vgt.s32 v0, $0x0;
	s15 =	sadd.s32 $0x10, s15;
	v2 =	vmov v0;
	(ifvalue) =	ssetifvalue $0x7FFFFFFF;
	v0 =	vld.msk [tilespmem:s16+$0x0 ss:$0x1], $0xffff  }
.Ltmp4:
0x3a: {  	_ = 	snop;
	(pc) =	sbr.rel .LBB2_4-.Ltmp4, $1  }
0x3b: {  	_ =	sdelay $0x3  }
.LBB2_6:
0x3c: {  	_ =	sfence.sel $0x180000  }
0x3d: {  	s2 =	simm.s32 $0x2;
	[bflag:$0x0] =	sbarrier.arrive $0xFFFF  }
0x3e: {  	s30 =	simm.s32 $0x3;
	[sflag:s2] =	ssyncpa.u1 $0x1  }
0x3f: {  	s31 =	simm.s32 $0x1;
	[sflag:s30] =	ssyncpa.u1 $0x1  }
0x40: {  	[sflag:s31] =	ssyncpa.u1 $0x1  }
0x41: {  	p0 =	sne.s32 s1, $0x0;
	_ =	strace $0x9000004A  }
0x42: {  	s0 =	sadd.s32 @!p0 $0x100000, s0;
	[bflag:$0x2] =	sbarrier.arrive $0xFFFF  }
0x43: {  	[sflag:s0] =	ssyncadd.tile.s32 @!p0 $0x1;
	_ =	shalt  }
.Lfunc_end2:
_tile_overlayer_lowered:
.L_overlay_start_2:
0x44: {  	(tag) =	ssettag $0x2  }
0x45: {  	s0 =	rddreg [dreg:$0x0];
	s2 =	stileid.u32  }
0x46: {  	s1 =	rddreg [dreg:$0x1];
	p0 =	sne.s32 s2, $0x0  }
0x47: {  	s3 =	rddreg [dreg:$0x2];
	[bflag:$0x3] =	sbarrier.arrive $0xFFFF;
	s2 =	simm.s32 @!p0 $0x1C01  }
0x48: {  	[timem:s3], [sflag:s2] =	dma.local @!p0 [hbm:s0], s1  }
0x49: {  	s0 =	simm.s32 @!p0 $0x1  }
0x4a: {  	_ =	swait.ge @!p0 [sflag:s0], s1  }
0x4b: {  	s1 =	ssub.s32 @!p0 $0x0, s1;
	[sflag:s0] =	ssyncset.done @!p0 $0x0  }
0x4c: {  	[sflag:s0] =	ssyncadd.s32 @!p0 s1  }
0x4d: {  	[bflag:$0x3] =	sbarrier.arrive $0xFFFF  }
0x4e: {  	_ =	shalt  }

// kernel: kernel.5.cloned.1.call-start
scs
__scs_entry_jumppad:
0x0: {  	(pc) =	sbr.rel $0x88, $3  }
0x1: {  	(tag) =	ssettag $0x0;
	lr =	simm.s32 $0x1  }
0x2: {  	[smem:$0x3F94] =	sst lr;
	_ =	strace $0xD0000000  }
0x3: {  	_ = 	snop  }
0x4: {  	_ = 	snop  }
0x5: {  	_ = 	snop  }
0x6: {  	_ = 	snop  }
0x7: {  	_ = 	snop  }
__scs_overlays_trampoline_lowered:
0x8: {  	[smem:$0x3FA3] =	sst s0  }
0x9: {  	[smem:$0x3FA4] =	sst s1  }
0xa: {  	[smem:$0x3FA5] =	sst s2  }
0xb: {  	[smem:$0x3FA6] =	sst s3  }
0xc: {  	[smem:$0x3FA7] =	sst s4  }
0xd: {  	[smem:$0x3FA8] =	sst s5  }
0xe: {  	[smem:$0x3FA9] =	sst s6  }
0xf: {  	[smem:$0x3FAA] =	sst s7  }
0x10: {  	[smem:$0x3FAB] =	sst s8  }
0x11: {  	[smem:$0x3FAC] =	sst s9;
	s0 =	simm.s32 @!p0 $0x0  }
0x12: {  	s1 =	sld [smem:$0x3F92];
	s0 =	simm.s32 @p0 $0x1  }
0x13: {  	[smem:$0x3FAD] =	sst s0;
	s0 =	simm.s32 @!p1 $0x0  }
0x14: {  	s2 =	sld [smem:$0x3F91];
	s0 =	simm.s32 @p1 $0x1  }
0x15: {  	[smem:$0x3FAE] =	sst s0;
	s0 =	simm.s32 @!p2 $0x0  }
0x16: {  	s3 =	sld [smem:$0x3FDB];
	s0 =	simm.s32 @p2 $0x1  }
0x17: {  	s4 =	simm.s32 $0x1BF5;
	[smem:$0x3FB0] =	sst s0  }
0x18: {  	s0 =	sld [smem:$0x3F93];
	_ =	swait.ge [sflag:s4], $0x0  }
0x19: {  	s7 =	sld [smem:$0x3F94]  }
0x1a: {  	s8 =	sadd.s32 $0xFFFFE003, lr  }
0x1b: {  	s9 =	sadd.s32 $0xFFFFFEF7, lr;
	s5 =	simm.s32 $0xFFFFFFFF;
	p2 =	slt.u32 s8, $0xFFFFF086  }
0x1c: {  	p1 =	slt.u32 s9, $0xF7A;
	s5 =	simm.s32 @!p2 $0x0  }
0x1d: {  	s5 =	simm.s32 @p1 $0x1;
	p0 =	seq.s32 s7, s2  }
0x1e: {  	s7 =	smul.u32 @!p0 $0xF7A, s2;
	p2 =	seq.s32 @!p0 s5, $0x0  }
0x1f: {  	s9 =	smul.u32 $0xF7A, s1;
	s8 =	simm.s32 @!p0 $0x1BF5;
	p2 =	por !p2, p0  }
0x20: {  	[sflag:s8] =	ssyncset.s32 @!p0 $0xFFFFF086;
	s6 =	sadd.s32 @!p0 s3, s7;
	s7 =	simm.s32 @!p0 $0x108  }
0x21: {  	s3 =	sadd.s32 s3, s9;
	s6 =	sadd.s32 @!p0 $0x88, s6;
	s7 =	simm.s32 @p2 $0x1082  }
0x22: {  	[simem:s7], [sflag:s8] =	dma.local @!p0 [hbm:s6], $0xF7A  }
0x23: {  	s9 =	sor.u32 $0xD0000000, s2;
	s6 =	simm.s32 $0x108;
	_ =	swait.ge @!p0 [sflag:s8], $0x0  }
0x24: {  	s3 =	sadd.s32 $0x88, s3;
	s6 =	simm.s32 @!p1 $0x1082;
	[sflag:s4] =	ssyncset.s32 $0xFFFFF086  }
0x25: {  	[simem:s6], [sflag:s4] =	dma.local [hbm:s3], $0xF7A  }
0x26: {  	[smem:$0x3F94] =	sst s1;
	(tag) =	ssettag s2;
	_ =	strace s9  }
0x27: {  	s1 =	sld [smem:$0x3FA4]  }
0x28: {  	s2 =	sld [smem:$0x3FA5]  }
0x29: {  	s4 =	sld [smem:$0x3FA7]  }
0x2a: {  	p0 =	seq.s32 s5, $0x0;
	s5 =	sld [smem:$0x3FA8]  }
0x2b: {  	s6 =	sld [smem:$0x3FA9]  }
0x2c: {  	s7 =	sld [smem:$0x3FAA]  }
0x2d: {  	s3 =	simm.s32 $0x108;
	s8 =	sld [smem:$0x3FAB]  }
0x2e: {  	s3 =	simm.s32 @!p0 $0x1082;
	s9 =	sld [smem:$0x3FAC]  }
0x2f: {  	lr =	sadd.s32 s0, s3;
	s0 =	sld [smem:$0x3FA3]  }
0x30: {  	s3 =	sld [smem:$0x3FA6]  }
0x31: {  	[smem:$0x3FAF] =	sst s10  }
0x32: {  	s10 =	sld [smem:$0x3FAD];
	_ =	sdelay $0x3  }
0x33: {  	p0 =	seq.s32 s10, $0x1;
	s10 =	sld [smem:$0x3FAF];
	_ =	sdelay $0x3  }
0x34: {  	[smem:$0x3FAF] =	sst s10  }
0x35: {  	s10 =	sld [smem:$0x3FAE];
	_ =	sdelay $0x3  }
0x36: {  	p1 =	seq.s32 s10, $0x1;
	s10 =	sld [smem:$0x3FAF];
	_ =	sdelay $0x3  }
0x37: {  	[smem:$0x3FAF] =	sst s10  }
0x38: {  	s10 =	sld [smem:$0x3FB0]  }
0x39: {  	_ = 	snop;
	(pc) =	sbr.ind lr, $3  }
0x3a: {  	_ = 	snop  }
0x3b: {  	_ = 	snop  }
0x3c: {  	p2 =	seq.s32 s10, $0x1;
	s10 =	sld [smem:$0x3FAF]  }
0x3d: {  	_ =	shalt  }
0x3e: {  	_ =	shalt  }
0x3f: {  	_ =	shalt  }
0x40: {  	_ =	shalt  }
0x41: {  	_ =	shalt  }
0x42: {  	_ =	shalt  }
0x43: {  	_ =	shalt  }
0x44: {  	_ =	shalt  }
0x45: {  	_ =	shalt  }
0x46: {  	_ =	shalt  }
0x47: {  	_ =	shalt  }
0x48: {  	_ =	shalt  }
0x49: {  	_ =	shalt  }
0x4a: {  	_ =	shalt  }
0x4b: {  	_ =	shalt  }
0x4c: {  	_ =	shalt  }
0x4d: {  	_ =	shalt  }
0x4e: {  	_ =	shalt  }
0x4f: {  	_ =	shalt  }
0x50: {  	_ =	shalt  }
0x51: {  	_ =	shalt  }
0x52: {  	_ =	shalt  }
0x53: {  	_ =	shalt  }
0x54: {  	_ =	shalt  }
0x55: {  	_ =	shalt  }
0x56: {  	_ =	shalt  }
0x57: {  	_ =	shalt  }
0x58: {  	_ =	shalt  }
0x59: {  	_ =	shalt  }
0x5a: {  	_ =	shalt  }
0x5b: {  	_ =	shalt  }
0x5c: {  	_ =	shalt  }
0x5d: {  	_ =	shalt  }
0x5e: {  	_ =	shalt  }
0x5f: {  	_ =	shalt  }
0x60: {  	_ =	shalt  }
0x61: {  	_ =	shalt  }
0x62: {  	_ =	shalt  }
0x63: {  	_ =	shalt  }
0x64: {  	_ =	shalt  }
0x65: {  	_ =	shalt  }
0x66: {  	_ =	shalt  }
0x67: {  	_ =	shalt  }
0x68: {  	_ =	shalt  }
0x69: {  	_ =	shalt  }
0x6a: {  	_ =	shalt  }
0x6b: {  	_ =	shalt  }
0x6c: {  	_ =	shalt  }
0x6d: {  	_ =	shalt  }
0x6e: {  	_ =	shalt  }
0x6f: {  	_ =	shalt  }
0x70: {  	_ =	shalt  }
0x71: {  	_ =	shalt  }
0x72: {  	_ =	shalt  }
0x73: {  	_ =	shalt  }
0x74: {  	_ =	shalt  }
0x75: {  	_ =	shalt  }
0x76: {  	_ =	shalt  }
0x77: {  	_ =	shalt  }
0x78: {  	_ =	shalt  }
0x79: {  	_ =	shalt  }
0x7a: {  	_ =	shalt  }
0x7b: {  	_ =	shalt  }
0x7c: {  	_ =	shalt  }
0x7d: {  	_ =	shalt  }
0x7e: {  	_ =	shalt  }
0x7f: {  	_ =	shalt  }
0x80: {  	_ =	shalt  }
0x81: {  	_ =	shalt  }
0x82: {  	_ =	shalt  }
0x83: {  	_ =	shalt  }
0x84: {  	_ =	shalt  }
0x85: {  	_ =	shalt  }
0x86: {  	_ =	shalt  }
0x87: {  	_ =	shalt  }
.Lfunc_end0:
.L_simem_size_0:
called_computation.1_lowered:
.L_overlay_start_0:
0x88: {  	s2 =	sld [smem:$0x3FD9]  }
0x89: {  	s3 =	sld [smem:$0x3FFE];
	_ =	sdelay $0x1  }
0x8a: {  	s1 =	srdreg.scid  }
0x8b: {  	s0 =	sand.u32 $0x1, s1  }
0x8c: {  	s17 =	sshll.u32 s0, $0xA;
	s2 =	sadd.s32 s3, s2  }
0x8d: {  	s2 =	sadd.s32 s2, s17  }
0x8e: {  	[smem:$0x3FBB] =	sst s2  }
0x8f: {  	_ = 	snop  }
0x90: {  	s2 =	sld [smem:$0x3FD0];
	(tm) =	ssettm $0x1  }
0x91: {  	s18 =	sld [smem:$0x3FFB];
	_ =	sdelay $0x3  }
0x92: {  	_ =	strace s18  }
0x93: {  	s3 =	sld [smem:$0x3FFC];
	_ =	sdelay $0x3  }
0x94: {  	_ =	strace s3  }
0x95: {  	s3 =	sld [smem:$0x3FFD];
	_ =	sdelay $0x3  }
0x96: {  	_ =	strace s3  }
0x97: {  	_ =	strace $0x8FFFFFFF  }
0x98: {  	s19 =	sld [smem:$0x3FDB];
	_ =	sdelay $0x1  }
0x99: {  	s4 =	simm.s32 $_scs_section_size  }
0x9a: {  	s5 =	simm.s32 $_size__tile_overlayer_lowered;
	s6 =	simm.s32 $_tile_overlayer_lowered  }
0x9b: {  	s22 =	simm.s32 $0x1BFF;
	s21 =	sshll.u32 s6, $0x1;
	s3 =	sadd.s32 s4, s19  }
0x9c: {  	s7 =	simm.s32 $0x0;
	s20 =	sshll.u32 s5, $0x1;
	s5 =	sadd.s32 s21, s3  }
0x9d: {  	[timem:s7], [sflag:s22] =	dma.local [hbm:s5], s20  }
0x9e: {  	_ =	swait.ge [sflag:s22], s20  }
0x9f: {  	s4 =	ssub.s32 $0x0, s20;
	[sflag:s22] =	ssyncset.done $0x0  }
0xa0: {  	[sflag:s22] =	ssyncadd.s32 s4;
	_ =	sdelay $0x1  }
0xa1: {  	s23 =	simm.s32 $0x1B8B  }
0xa2: {  	_ =	swait.ge [sflag:s23], $0x1  }
0xa3: {  	[sflag:s23] =	ssyncset.done $0x0  }
0xa4: {  	s25 =	simm.s32 $0x1B8E;
	s24 =	sld [smem:$0x3FFE];
	[sflag:s23] =	ssyncadd.s32 $0xFFFFFFFF  }
0xa5: {  	s26 =	simm.s32 $execute0_lowered;
	[smem:$0x3FD2] =	sst s25  }
0xa6: {  	s5 =	sshll.u32 s26, $0x1;
	_ =	strace $0x80000046;
	[dreg:$0x1] =	wrdreg $0xFFFFFFFF  }
0xa7: {  	s28 =	simm.s32 $_size_execute0_lowered;
	s3 =	sadd.s32 s3, s5;
	[dreg:$0x0] =	wrdreg $0x0  }
0xa8: {  	s5 =	sshll.u32 s28, $0x1;
	[dreg:$0x2] =	wrdreg s3  }
0xa9: {  	[dreg:$0x3] =	wrdreg s5  }
0xaa: {  	[dreg:$0x4] =	wrdreg $0xC0  }
0xab: {  	_ =	task [dreg:s7], $0x5FFFF  }
0xac: {  	[dreg:$0x1] =	wrdreg $0xFFFFFFFF  }
0xad: {  	[dreg:$0x0] =	wrdreg $0x60  }
0xae: {  	[dreg:$0x2] =	wrdreg s24  }
0xaf: {  	[dreg:$0x3] =	wrdreg s2  }
0xb0: {  	[dreg:$0x4] =	wrdreg $0x9  }
0xb1: {  	_ =	task.clear_ibuf [dreg:s7], $0x5FFFF;
	_ =	strace $0x90000046  }
0xb2: {  	s29 =	simm.s32 $0x9;
	_ =	strace $0x80000048  }
0xb3: {  	_ =	swait.ge [sflag:s29], $0x1  }
0xb4: {  	[sflag:s29] =	ssyncadd.s32 $0xFFFFFFFF  }
0xb5: {  	_ =	strace $0x90000048  }
0xb6: {  	_ =	sfence  }
0xb7: {  	s30 =	sld [smem:$0x0];
	_ =	sdelay $0x2  }
0xb8: {  	s31 =	sshll.u32 s1, $0xD;
	s1 =	sshrl.u32 s1, $0x2  }
0xb9: {  	s3 =	sand.u32 $0x4000, s31;
	s1 =	sadd.s32 s1, s30  }
0xba: {  	s0 =	sor.u32 s3, s0;
	s1 =	sshll.u32 s1, $0x11  }
0xbb: {  	s0 =	sor.u32 s1, s0  }
0xbc: {  	s0 =	sadd.s32 $0x8F2B, s0  }
0xbd: {  	[sflag:s0] =	ssyncadd.remote.s32 $0x1  }
0xbe: {  	_ =	sfence.sel $0xFFFF  }
0xbf: {  	[dreg:$0x0] =	wrdreg $0xFFFFFFFF;
	(pc) =	sbr.abs _section_cstart, $3  }
0xc0: {  	[dreg:$0x1] =	wrdreg $0xFFFFFFFF  }
0xc1: {  	_ =	task.clear_ibuf [dreg:s7], $0x2FFFF;
	_ =	strace $0x9FFFFFFF  }
0xc2: {  	(tm) =	ssettm $0x7FFFFFFF  }
0xc3: {  	_ =	shalt  }
tec
execute0_lowered:
.L_overlay_start_1:
0x0: {  	(tag) =	ssettag $0x1  }
0x1: {  	s4 =	rddreg [dreg:$0x0]  }
0x2: {  	s5 =	rddreg [dreg:$0x1];
	s2 =	srdreg.scid  }
0x3: {  	s0 =	rddreg [dreg:$0x2];
	s1 =	stileid.u32  }
0x4: {  	s11 =	simm.s32 $0x1;
	s12 =	simm.s32 $0x2820;
	s13 =	simm.s32 $0x80  }
0x5: {  	s14 =	simm.s32 $0x0;
	s6 =	sand.u32 $0x1, s2;
	s3 =	sshll.u32 s1, $0x8  }
0x6: {  	s8 =	sshll.u32 s1, $0x1;
	s2 =	simm.s32 $0x0;
	p0 =	slt.u32 s1, $0x2  }
0x7: {  	s7 =	sshll.u32 s6, $0x7;
	s30 =	sor.u32 s6, s8;
	[smem:$0x7FF] =	sst s2  }
0x8: {  	s6 =	ssub.s32 $0x2, s6;
	s3 =	sor.u32 s7, s3;
	s7 =	smul.u32 $0x4E4, s30  }
0x9: {  	_ =	strace $0x80000047;
	s10 =	sshrl.u32 s6, $0x1;
	s3 =	sshrl.u32 s3, $0x3  }
0xa: {  	s10 =	ssub.s32 s6, s10;
	s9 =	sadd.s32 s3, s4;
	s3 =	sadd.s32 $0x13E00, s4  }
0xb: {  	s31 =	sadd.s32 s7, s4;
	s4 =	simm.s32 $0x4F;
	s5 =	sadd.s32 s5, s7  }
0xc: {  	s7 =	smax.u32 s10, $0x1;
	s10 =	simm.s32 $0x100;
	s4 =	simm.s32 @!p0 $0x4E  }
0xd: {  	v0 =	vimm.f32 $1.000000000e+00;
	s6 =	sadd.s32 $0x14400, s31;
	s8 =	sadd.s32 $0x200, s9;
	s9 =	sadd.s32 $0xA000, s9  }
.LBB2_1:
0xe: {  	[tilespmem:s10], [sflag:$0x1] =	stream.linear.gather [hbm4b:s3+s2], $0x2720, $0x38;
	[tilespmem:$0x4F40] =	vst v63  }
0xf: {  	_ =	swait.ge [sflag:s11], $0x2720  }
0x10: {  	[sflag:s11] =	ssyncset.done $0x0  }
0x11: {  	[sflag:s11] =	ssyncadd.s32 $0xFFFFD8E0  }
0x12: {  	[tilespmem:s12], [sflag:$0x1] =	stream.linear.gather [hbm4b:s3+s2], $0x2720, $0x38;
	[tilespmem:$0x4F40] =	vst v63  }
0x13: {  	_ =	swait.ge [sflag:s11], $0x2720  }
0x14: {  	s15 =	smov.u32 s9;
	[sflag:s11] =	ssyncset.done $0x0  }
0x15: {  	s16 =	smov.u32 s8;
	s17 =	smov.u32 s4;
	[sflag:s11] =	ssyncadd.s32 $0xFFFFD8E0  }
.LBB2_2:
0x16: {  	[tilespmem:s2], [sflag:$0x1] =	stream.linear.gather [hbm4b:s15+s2], $0x80, $0x38;
	[tilespmem:$0x4F40] =	vst v63  }
0x17: {  	_ =	swait.ge [sflag:s11], $0x80  }
0x18: {  	[sflag:s11] =	ssyncset.done $0x0  }
0x19: {  	[sflag:s11] =	ssyncadd.s32 $0xFFFFFF80  }
0x1a: {  	[tilespmem:s13], [sflag:$0x1] =	stream.linear.gather [hbm4b:s16+s2], $0x80, $0x38;
	[tilespmem:$0x4F40] =	vst v63  }
0x1b: {  	_ =	swait.ge [sflag:s11], $0x80  }
0x1c: {  	[sflag:s11] =	ssyncset.done $0x0  }
0x1d: {  	[sflag:s11] =	ssyncadd.s32 $0xFFFFFF80  }
0x1e: {  	v1 =	vld [tilespmem:$0x0];
	_ =	sdelay $0x7  }
0x1f: {  	[tilespmem:v1+s10+$0x0] =	vst.idx.add.f32.msk $0xffff, v0  }
0x20: {  	v1 =	vld [tilespmem:$0x80];
	_ =	sdelay $0x7  }
0x21: {  	[tilespmem:v1+s12+$0x0] =	vst.idx.add.f32.msk $0xffff, v0  }
0x22: {  	v1 =	vld [tilespmem:$0x10];
	_ =	sdelay $0x7  }
0x23: {  	[tilespmem:v1+s10+$0x0] =	vst.idx.add.f32.msk $0xffff, v0  }
0x24: {  	v1 =	vld [tilespmem:$0x90];
	_ =	sdelay $0x7  }
0x25: {  	[tilespmem:v1+s12+$0x0] =	vst.idx.add.f32.msk $0xffff, v0  }
0x26: {  	v1 =	vld [tilespmem:$0x20];
	_ =	sdelay $0x7  }
0x27: {  	[tilespmem:v1+s10+$0x0] =	vst.idx.add.f32.msk $0xffff, v0  }
0x28: {  	v1 =	vld [tilespmem:$0xA0];
	_ =	sdelay $0x7  }
0x29: {  	[tilespmem:v1+s12+$0x0] =	vst.idx.add.f32.msk $0xffff, v0  }
0x2a: {  	v1 =	vld [tilespmem:$0x30];
	_ =	sdelay $0x7  }
0x2b: {  	[tilespmem:v1+s10+$0x0] =	vst.idx.add.f32.msk $0xffff, v0  }
0x2c: {  	v1 =	vld [tilespmem:$0xB0];
	_ =	sdelay $0x7  }
0x2d: {  	[tilespmem:v1+s12+$0x0] =	vst.idx.add.f32.msk $0xffff, v0  }
0x2e: {  	v1 =	vld [tilespmem:$0x40];
	_ =	sdelay $0x7  }
0x2f: {  	[tilespmem:v1+s10+$0x0] =	vst.idx.add.f32.msk $0xffff, v0  }
0x30: {  	v1 =	vld [tilespmem:$0xC0];
	_ =	sdelay $0x7  }
0x31: {  	[tilespmem:v1+s12+$0x0] =	vst.idx.add.f32.msk $0xffff, v0  }
0x32: {  	v1 =	vld [tilespmem:$0x50];
	_ =	sdelay $0x7  }
0x33: {  	[tilespmem:v1+s10+$0x0] =	vst.idx.add.f32.msk $0xffff, v0  }
0x34: {  	v1 =	vld [tilespmem:$0xD0];
	_ =	sdelay $0x7  }
0x35: {  	[tilespmem:v1+s12+$0x0] =	vst.idx.add.f32.msk $0xffff, v0  }
0x36: {  	v1 =	vld [tilespmem:$0x60];
	_ =	sdelay $0x7  }
0x37: {  	[tilespmem:v1+s10+$0x0] =	vst.idx.add.f32.msk $0xffff, v0  }
0x38: {  	v1 =	vld [tilespmem:$0xE0];
	_ =	sdelay $0x7  }
0x39: {  	[tilespmem:v1+s12+$0x0] =	vst.idx.add.f32.msk $0xffff, v0  }
0x3a: {  	v1 =	vld [tilespmem:$0x70];
	_ =	sdelay $0x7  }
0x3b: {  	[tilespmem:v1+s10+$0x0] =	vst.idx.add.f32.msk $0xffff, v0  }
0x3c: {  	v1 =	vld [tilespmem:$0xF0];
	_ =	sdelay $0x2  }
0x3d: {  	p0 =	sne.s32 s17, $0x1  }
.Ltmp0:
0x3e: {  	_ = 	snop;
	(pc) =	sbr.rel @p0 .LBB2_2-.Ltmp0, $2  }
0x3f: {  	_ =	sdelay $0x2  }
0x40: {  	s15 =	sadd.s32 $0x200, s15;
	s17 =	sadd.s32 $0xFFFFFFFF, s17;
	s16 =	sadd.s32 $0x200, s16;
	[tilespmem:v1+s12+$0x0] =	vst.idx.add.f32.msk $0xffff, v0  }
0x41: {  	[hbm4b:s5+s2] =	stream.linear.scatter [tilespmem:s10], [sflag:$0x1], $0x2720, $0x38;
	[tilespmem:$0x4F40] =	vst v63  }
0x42: {  	s14 =	sadd.s32 $0x1, s14;
	_ =	swait.ge [sflag:s11], $0x2720  }
0x43: {  	p0 =	sne.s32 s14, s7;
	[sflag:s11] =	ssyncset.done $0x0  }
.Ltmp1:
0x44: {  	[sflag:s11] =	ssyncadd.s32 $0xFFFFD8E0;
	(pc) =	sbr.rel @p0 .LBB2_1-.Ltmp1, $4  }
0x45: {  	[hbm4b:s6+s2] =	stream.linear.scatter [tilespmem:s12], [sflag:$0x1], $0x2720, $0x38;
	[tilespmem:$0x4F40] =	vst v63  }
0x46: {  	_ =	swait.ge [sflag:s11], $0x2720  }
0x47: {  	[sflag:s11] =	ssyncset.done $0x0  }
0x48: {  	[sflag:s11] =	ssyncadd.s32 $0xFFFFD8E0  }
0x49: {  	_ =	sfence.sel $0x180000  }
0x4a: {  	[bflag:$0x0] =	sbarrier.arrive $0xFFFF  }
0x4b: {  	p0 =	sne.s32 s1, $0x0;
	_ =	strace $0x90000047  }
0x4c: {  	s0 =	sadd.s32 @!p0 $0x100000, s0;
	[bflag:$0x2] =	sbarrier.arrive $0xFFFF  }
0x4d: {  	[sflag:s0] =	ssyncadd.tile.s32 @!p0 $0x1;
	_ =	shalt  }
.Lfunc_end2:
_tile_overlayer_lowered:
.L_overlay_start_2:
0x4e: {  	(tag) =	ssettag $0x2  }
0x4f: {  	s0 =	rddreg [dreg:$0x0];
	s2 =	stileid.u32  }
0x50: {  	s1 =	rddreg [dreg:$0x1];
	p0 =	sne.s32 s2, $0x0  }
0x51: {  	s3 =	rddreg [dreg:$0x2];
	[bflag:$0x3] =	sbarrier.arrive $0xFFFF;
	s2 =	simm.s32 @!p0 $0x1C01  }
0x52: {  	[timem:s3], [sflag:s2] =	dma.local @!p0 [hbm:s0], s1  }
0x53: {  	s0 =	simm.s32 @!p0 $0x1  }
0x54: {  	_ =	swait.ge @!p0 [sflag:s0], s1  }
0x55: {  	s1 =	ssub.s32 @!p0 $0x0, s1;
	[sflag:s0] =	ssyncset.done @!p0 $0x0  }
0x56: {  	[sflag:s0] =	ssyncadd.s32 @!p0 s1  }
0x57: {  	[bflag:$0x3] =	sbarrier.arrive $0xFFFF  }
0x58: {  	_ =	shalt  }

// kernel: kernel.8.cloned.1.call-start
scs
__scs_entry_jumppad:
0x0: {  	(pc) =	sbr.rel $0x88, $3  }
0x1: {  	(tag) =	ssettag $0x0;
	lr =	simm.s32 $0x1  }
0x2: {  	[smem:$0x3F94] =	sst lr;
	_ =	strace $0xD0000000  }
0x3: {  	_ = 	snop  }
0x4: {  	_ = 	snop  }
0x5: {  	_ = 	snop  }
0x6: {  	_ = 	snop  }
0x7: {  	_ = 	snop  }
__scs_overlays_trampoline_lowered:
0x8: {  	[smem:$0x3FA3] =	sst s0  }
0x9: {  	[smem:$0x3FA4] =	sst s1  }
0xa: {  	[smem:$0x3FA5] =	sst s2  }
0xb: {  	[smem:$0x3FA6] =	sst s3  }
0xc: {  	[smem:$0x3FA7] =	sst s4  }
0xd: {  	[smem:$0x3FA8] =	sst s5  }
0xe: {  	[smem:$0x3FA9] =	sst s6  }
0xf: {  	[smem:$0x3FAA] =	sst s7  }
0x10: {  	[smem:$0x3FAB] =	sst s8  }
0x11: {  	[smem:$0x3FAC] =	sst s9;
	s0 =	simm.s32 @!p0 $0x0  }
0x12: {  	s1 =	sld [smem:$0x3F92];
	s0 =	simm.s32 @p0 $0x1  }
0x13: {  	[smem:$0x3FAD] =	sst s0;
	s0 =	simm.s32 @!p1 $0x0  }
0x14: {  	s2 =	sld [smem:$0x3F91];
	s0 =	simm.s32 @p1 $0x1  }
0x15: {  	[smem:$0x3FAE] =	sst s0;
	s0 =	simm.s32 @!p2 $0x0  }
0x16: {  	s3 =	sld [smem:$0x3FDB];
	s0 =	simm.s32 @p2 $0x1  }
0x17: {  	s4 =	simm.s32 $0x1BF5;
	[smem:$0x3FB0] =	sst s0  }
0x18: {  	s0 =	sld [smem:$0x3F93];
	_ =	swait.ge [sflag:s4], $0x0  }
0x19: {  	s7 =	sld [smem:$0x3F94]  }
0x1a: {  	s8 =	sadd.s32 $0xFFFFE003, lr  }
0x1b: {  	s9 =	sadd.s32 $0xFFFFFEF7, lr;
	s5 =	simm.s32 $0xFFFFFFFF;
	p2 =	slt.u32 s8, $0xFFFFF086  }
0x1c: {  	p1 =	slt.u32 s9, $0xF7A;
	s5 =	simm.s32 @!p2 $0x0  }
0x1d: {  	s5 =	simm.s32 @p1 $0x1;
	p0 =	seq.s32 s7, s2  }
0x1e: {  	s7 =	smul.u32 @!p0 $0xF7A, s2;
	p2 =	seq.s32 @!p0 s5, $0x0  }
0x1f: {  	s9 =	smul.u32 $0xF7A, s1;
	s8 =	simm.s32 @!p0 $0x1BF5;
	p2 =	por !p2, p0  }
0x20: {  	[sflag:s8] =	ssyncset.s32 @!p0 $0xFFFFF086;
	s6 =	sadd.s32 @!p0 s3, s7;
	s7 =	simm.s32 @!p0 $0x108  }
0x21: {  	s3 =	sadd.s32 s3, s9;
	s6 =	sadd.s32 @!p0 $0x88, s6;
	s7 =	simm.s32 @p2 $0x1082  }
0x22: {  	[simem:s7], [sflag:s8] =	dma.local @!p0 [hbm:s6], $0xF7A  }
0x23: {  	s9 =	sor.u32 $0xD0000000, s2;
	s6 =	simm.s32 $0x108;
	_ =	swait.ge @!p0 [sflag:s8], $0x0  }
0x24: {  	s3 =	sadd.s32 $0x88, s3;
	s6 =	simm.s32 @!p1 $0x1082;
	[sflag:s4] =	ssyncset.s32 $0xFFFFF086  }
0x25: {  	[simem:s6], [sflag:s4] =	dma.local [hbm:s3], $0xF7A  }
0x26: {  	[smem:$0x3F94] =	sst s1;
	(tag) =	ssettag s2;
	_ =	strace s9  }
0x27: {  	s1 =	sld [smem:$0x3FA4]  }
0x28: {  	s2 =	sld [smem:$0x3FA5]  }
0x29: {  	s4 =	sld [smem:$0x3FA7]  }
0x2a: {  	p0 =	seq.s32 s5, $0x0;
	s5 =	sld [smem:$0x3FA8]  }
0x2b: {  	s6 =	sld [smem:$0x3FA9]  }
0x2c: {  	s7 =	sld [smem:$0x3FAA]  }
0x2d: {  	s3 =	simm.s32 $0x108;
	s8 =	sld [smem:$0x3FAB]  }
0x2e: {  	s3 =	simm.s32 @!p0 $0x1082;
	s9 =	sld [smem:$0x3FAC]  }
0x2f: {  	lr =	sadd.s32 s0, s3;
	s0 =	sld [smem:$0x3FA3]  }
0x30: {  	s3 =	sld [smem:$0x3FA6]  }
0x31: {  	[smem:$0x3FAF] =	sst s10  }
0x32: {  	s10 =	sld [smem:$0x3FAD];
	_ =	sdelay $0x3  }
0x33: {  	p0 =	seq.s32 s10, $0x1;
	s10 =	sld [smem:$0x3FAF];
	_ =	sdelay $0x3  }
0x34: {  	[smem:$0x3FAF] =	sst s10  }
0x35: {  	s10 =	sld [smem:$0x3FAE];
	_ =	sdelay $0x3  }
0x36: {  	p1 =	seq.s32 s10, $0x1;
	s10 =	sld [smem:$0x3FAF];
	_ =	sdelay $0x3  }
0x37: {  	[smem:$0x3FAF] =	sst s10  }
0x38: {  	s10 =	sld [smem:$0x3FB0]  }
0x39: {  	_ = 	snop;
	(pc) =	sbr.ind lr, $3  }
0x3a: {  	_ = 	snop  }
0x3b: {  	_ = 	snop  }
0x3c: {  	p2 =	seq.s32 s10, $0x1;
	s10 =	sld [smem:$0x3FAF]  }
0x3d: {  	_ =	shalt  }
0x3e: {  	_ =	shalt  }
0x3f: {  	_ =	shalt  }
0x40: {  	_ =	shalt  }
0x41: {  	_ =	shalt  }
0x42: {  	_ =	shalt  }
0x43: {  	_ =	shalt  }
0x44: {  	_ =	shalt  }
0x45: {  	_ =	shalt  }
0x46: {  	_ =	shalt  }
0x47: {  	_ =	shalt  }
0x48: {  	_ =	shalt  }
0x49: {  	_ =	shalt  }
0x4a: {  	_ =	shalt  }
0x4b: {  	_ =	shalt  }
0x4c: {  	_ =	shalt  }
0x4d: {  	_ =	shalt  }
0x4e: {  	_ =	shalt  }
0x4f: {  	_ =	shalt  }
0x50: {  	_ =	shalt  }
0x51: {  	_ =	shalt  }
0x52: {  	_ =	shalt  }
0x53: {  	_ =	shalt  }
0x54: {  	_ =	shalt  }
0x55: {  	_ =	shalt  }
0x56: {  	_ =	shalt  }
0x57: {  	_ =	shalt  }
0x58: {  	_ =	shalt  }
0x59: {  	_ =	shalt  }
0x5a: {  	_ =	shalt  }
0x5b: {  	_ =	shalt  }
0x5c: {  	_ =	shalt  }
0x5d: {  	_ =	shalt  }
0x5e: {  	_ =	shalt  }
0x5f: {  	_ =	shalt  }
0x60: {  	_ =	shalt  }
0x61: {  	_ =	shalt  }
0x62: {  	_ =	shalt  }
0x63: {  	_ =	shalt  }
0x64: {  	_ =	shalt  }
0x65: {  	_ =	shalt  }
0x66: {  	_ =	shalt  }
0x67: {  	_ =	shalt  }
0x68: {  	_ =	shalt  }
0x69: {  	_ =	shalt  }
0x6a: {  	_ =	shalt  }
0x6b: {  	_ =	shalt  }
0x6c: {  	_ =	shalt  }
0x6d: {  	_ =	shalt  }
0x6e: {  	_ =	shalt  }
0x6f: {  	_ =	shalt  }
0x70: {  	_ =	shalt  }
0x71: {  	_ =	shalt  }
0x72: {  	_ =	shalt  }
0x73: {  	_ =	shalt  }
0x74: {  	_ =	shalt  }
0x75: {  	_ =	shalt  }
0x76: {  	_ =	shalt  }
0x77: {  	_ =	shalt  }
0x78: {  	_ =	shalt  }
0x79: {  	_ =	shalt  }
0x7a: {  	_ =	shalt  }
0x7b: {  	_ =	shalt  }
0x7c: {  	_ =	shalt  }
0x7d: {  	_ =	shalt  }
0x7e: {  	_ =	shalt  }
0x7f: {  	_ =	shalt  }
0x80: {  	_ =	shalt  }
0x81: {  	_ =	shalt  }
0x82: {  	_ =	shalt  }
0x83: {  	_ =	shalt  }
0x84: {  	_ =	shalt  }
0x85: {  	_ =	shalt  }
0x86: {  	_ =	shalt  }
0x87: {  	_ =	shalt  }
.Lfunc_end0:
.L_simem_size_0:
called_computation.2_lowered:
.L_overlay_start_0:
0x88: {  	s2 =	sld [smem:$0x3FD9]  }
0x89: {  	s3 =	sld [smem:$0x3FFE];
	_ =	sdelay $0x1  }
0x8a: {  	s1 =	srdreg.scid  }
0x8b: {  	s0 =	sand.u32 $0x1, s1  }
0x8c: {  	s17 =	sshll.u32 s0, $0xA;
	s2 =	sadd.s32 s3, s2  }
0x8d: {  	s2 =	sadd.s32 s2, s17  }
0x8e: {  	[smem:$0x3FBB] =	sst s2  }
0x8f: {  	_ = 	snop  }
0x90: {  	s2 =	sld [smem:$0x3FC9]  }
0x91: {  	s18 =	sld [smem:$0x3FD0];
	(tm) =	ssettm $0x1  }
0x92: {  	s4 =	sld [smem:$0x3FFB];
	_ =	sdelay $0x3  }
0x93: {  	_ =	strace s4  }
0x94: {  	s4 =	sld [smem:$0x3FFC];
	_ =	sdelay $0x3  }
0x95: {  	_ =	strace s4  }
0x96: {  	s4 =	sld [smem:$0x3FFD];
	_ =	sdelay $0x3  }
0x97: {  	_ =	strace s4  }
0x98: {  	_ =	strace $0x8FFFFFFF  }
0x99: {  	s19 =	sld [smem:$0x3FDB];
	_ =	sdelay $0x1  }
0x9a: {  	s5 =	simm.s32 $_scs_section_size  }
0x9b: {  	s6 =	simm.s32 $_size__tile_overlayer_lowered;
	s7 =	simm.s32 $_tile_overlayer_lowered  }
0x9c: {  	s22 =	simm.s32 $0x1BFF;
	s21 =	sshll.u32 s7, $0x1;
	s4 =	sadd.s32 s5, s19  }
0x9d: {  	s8 =	simm.s32 $0x0;
	s20 =	sshll.u32 s6, $0x1;
	s6 =	sadd.s32 s21, s4  }
0x9e: {  	[timem:s8], [sflag:s22] =	dma.local [hbm:s6], s20  }
0x9f: {  	_ =	swait.ge [sflag:s22], s20  }
0xa0: {  	s5 =	ssub.s32 $0x0, s20;
	[sflag:s22] =	ssyncset.done $0x0  }
0xa1: {  	[sflag:s22] =	ssyncadd.s32 s5;
	_ =	sdelay $0x1  }
0xa2: {  	s23 =	simm.s32 $0x1B8B  }
0xa3: {  	_ =	swait.ge [sflag:s23], $0x1  }
0xa4: {  	[sflag:s23] =	ssyncset.done $0x0  }
0xa5: {  	s25 =	simm.s32 $0x1B8E;
	s24 =	sld [smem:$0x3FFE];
	[sflag:s23] =	ssyncadd.s32 $0xFFFFFFFF  }
0xa6: {  	s26 =	simm.s32 $execute0_lowered;
	[smem:$0x3FD2] =	sst s25  }
0xa7: {  	s6 =	sshll.u32 s26, $0x1;
	_ =	strace $0x8000004C;
	[dreg:$0x1] =	wrdreg $0xFFFFFFFF  }
0xa8: {  	s28 =	simm.s32 $_size_execute0_lowered;
	s4 =	sadd.s32 s4, s6;
	[dreg:$0x0] =	wrdreg $0x0  }
0xa9: {  	s6 =	sshll.u32 s28, $0x1;
	[dreg:$0x2] =	wrdreg s4  }
0xaa: {  	[dreg:$0x3] =	wrdreg s6  }
0xab: {  	[dreg:$0x4] =	wrdreg $0xC0  }
0xac: {  	_ =	task [dreg:s8], $0x5FFFF  }
0xad: {  	[dreg:$0x1] =	wrdreg $0xFFFFFFFF  }
0xae: {  	[dreg:$0x0] =	wrdreg $0x60  }
0xaf: {  	[dreg:$0x2] =	wrdreg s24  }
0xb0: {  	[dreg:$0x3] =	wrdreg s2  }
0xb1: {  	[dreg:$0x4] =	wrdreg s18  }
0xb2: {  	[dreg:$0x5] =	wrdreg $0x68900  }
0xb3: {  	[dreg:$0x6] =	wrdreg $0x9  }
0xb4: {  	_ =	task.clear_ibuf [dreg:s8], $0x7FFFF;
	_ =	strace $0x9000004C  }
0xb5: {  	s29 =	simm.s32 $0x9;
	_ =	strace $0x8000004E  }
0xb6: {  	_ =	swait.ge [sflag:s29], $0x1  }
0xb7: {  	[sflag:s29] =	ssyncadd.s32 $0xFFFFFFFF  }
0xb8: {  	_ =	strace $0x9000004E  }
0xb9: {  	_ =	sfence  }
0xba: {  	s30 =	sld [smem:$0x0];
	_ =	sdelay $0x2  }
0xbb: {  	s31 =	sshll.u32 s1, $0xD;
	s1 =	sshrl.u32 s1, $0x2  }
0xbc: {  	s3 =	sand.u32 $0x4000, s31;
	s1 =	sadd.s32 s1, s30  }
0xbd: {  	s0 =	sor.u32 s3, s0;
	s1 =	sshll.u32 s1, $0x11  }
0xbe: {  	s0 =	sor.u32 s1, s0  }
0xbf: {  	s0 =	sadd.s32 $0x8F2B, s0  }
0xc0: {  	[sflag:s0] =	ssyncadd.remote.s32 $0x1  }
0xc1: {  	_ =	sfence.sel $0xFFFF  }
0xc2: {  	[dreg:$0x0] =	wrdreg $0xFFFFFFFF;
	(pc) =	sbr.abs _section_cstart, $3  }
0xc3: {  	[dreg:$0x1] =	wrdreg $0xFFFFFFFF  }
0xc4: {  	_ =	task.clear_ibuf [dreg:s8], $0x2FFFF;
	_ =	strace $0x9FFFFFFF  }
0xc5: {  	(tm) =	ssettm $0x7FFFFFFF  }
tec
execute0_lowered:
.L_overlay_start_1:
0x0: {  	(tag) =	ssettag $0x1  }
0x1: {  	s7 =	rddreg [dreg:$0x0]  }
0x2: {  	s1 =	rddreg [dreg:$0x1]  }
0x3: {  	s9 =	rddreg [dreg:$0x2]  }
0x4: {  	s3 =	rddreg [dreg:$0x3]  }
0x5: {  	s4 =	srdreg.scid;
	s0 =	rddreg [dreg:$0x4]  }
0x6: {  	s2 =	stileid.u32;
	s16 =	simm.s32 $0x80;
	s17 =	simm.s32 $0x180  }
0x7: {  	s18 =	simm.s32 $0x1;
	s19 =	simm.s32 $0x100;
	s21 =	simm.s32 $0x0  }
0x8: {  	s8 =	sand.u32 $0x1, s4;
	s4 =	simm.s32 $0x0;
	s5 =	sshll.u32 s2, $0x8  }
0x9: {  	s12 =	smul.u32 $0x4E400, s2;
	s14 =	sadd.s32 $0x16C00, s7;
	p0 =	slt.u32 s2, $0x2  }
0xa: {  	s29 =	smul.u32 $0x13880, s2;
	s31 =	sshll.u32 s2, $0x6;
	s6 =	sshll.u32 s8, $0x7  }
0xb: {  	[smem:$0x7FF] =	sst s4;
	s10 =	ssub.s32 $0x2, s8;
	s5 =	sor.u32 s6, s5  }
0xc: {  	_ =	strace $0x8000004D;
	s6 =	sadd.s32 $0x14400, s7;
	s13 =	sshrl.u32 s10, $0x1  }
0xd: {  	s12 =	sshrl.u32 s12, $0x2;
	s30 =	sshrl.u32 s29, $0x3;
	s20 =	sadd.s32 s29, s3  }
0xe: {  	s5 =	sshrl.u32 s5, $0x3;
	s10 =	ssub.s32 s10, s13;
	s15 =	sadd.s32 s12, s3  }
0xf: {  	s12 =	simm.s32 $0x4180;
	s13 =	simm.s32 $0x2;
	s20 =	sshrl.u32 s20, $0x3  }
0x10: {  	s11 =	sadd.s32 s5, s7;
	s5 =	sadd.s32 $0x13E00, s7;
	s7 =	simm.s32 $0x4F  }
0x11: {  	s15 =	sshrl.u32 s15, $0x3;
	s7 =	simm.s32 @!p0 $0x4E;
	p0 =	seq.s32 s8, $0x1  }
0x12: {  	s8 =	smax.u32 s10, $0x1;
	s10 =	sadd.s32 $0xA000, s11;
	s9 =	smov.u32 @p0 s14  }
0x13: {  	s11 =	sadd.s32 $0x200, s11;
	s14 =	sor.u32 $0x1C02, s31;
	s9 =	sadd.s32 s9, s30  }
.LBB2_1:
0x14: {  	[tilespmem:s12], [sflag:$0x2] =	stream.linear.gather [hbm4b:s5+s4], $0x2710, $0x38;
	[tilespmem:$0x1A190] =	vst v63  }
0x15: {  	_ =	swait.ge [sflag:s13], $0x2710  }
0x16: {  	[sflag:s13] =	ssyncset.done $0x0  }
0x17: {  	[sflag:s13] =	ssyncadd.s32 $0xFFFFD8F0  }
0x18: {  	[spmem:s15], [sflag:s14] =	dma.local [hbm:s6], $0x2720  }
0x19: {  	_ =	swait.ge [sflag:s13], $0x2720  }
0x1a: {  	[sflag:s13] =	ssyncset.done $0x0  }
0x1b: {  	[sflag:s13] =	ssyncadd.s32 $0xFFFFD8E0  }
0x1c: {  	[bflag:$0x0] =	sbarrier.arrive $0xFFFF  }
0x1d: {  	[tilespmem:s16], [sflag:$0x2] =	stream.linear.gather [hbm4b:s11+s4], $0x80, $0x38;
	[tilespmem:$0x1A190] =	vst v63  }
0x1e: {  	_ =	swait.ge [sflag:s13], $0x80  }
0x1f: {  	[sflag:s13] =	ssyncset.done $0x0  }
0x20: {  	[sflag:s13] =	ssyncadd.s32 $0xFFFFFF80  }
0x21: {  	[tilespmem:s17], [sflag:$0x1] =	stream.indirect.gather [hbm4b:s1+s16], $0x80, s16, s16, $0xb8;
	[tilespmem:$0x1A190] =	vst v63  }
0x22: {  	_ = 	snop  }
0x23: {  	[tilespmem:s4], [sflag:$0x2] =	stream.linear.gather [hbm4b:s10+s4], $0x80, $0x38;
	[tilespmem:$0x1A190] =	vst v63  }
0x24: {  	_ =	swait.ge [sflag:s13], $0x80  }
0x25: {  	[sflag:s13] =	ssyncset.done $0x0  }
0x26: {  	[sflag:s13] =	ssyncadd.s32 $0xFFFFFF80  }
0x27: {  	v0 =	vld [tilespmem:$0x0];
	_ =	sdelay $0x5  }
0x28: {  	v1 =	vld [tilespmem:$0x10];
	_ =	sdelay $0x1  }
0x29: {  	v0 =	vld.idx.msk [tilespmem:v0+s12+$0x0], $0xffff;
	_ =	sdelay $0x3  }
0x2a: {  	v2 =	vld [tilespmem:$0x20]  }
0x2b: {  	[tilespmem:$0x100] =	vst v0  }
0x2c: {  	v0 =	vld.idx.msk [tilespmem:v1+s12+$0x0], $0xffff;
	_ =	sdelay $0x3  }
0x2d: {  	v59 =	vld [tilespmem:$0x30]  }
0x2e: {  	[tilespmem:$0x110] =	vst v0  }
0x2f: {  	v0 =	vld.idx.msk [tilespmem:v2+s12+$0x0], $0xffff;
	_ =	sdelay $0x3  }
0x30: {  	v60 =	vld [tilespmem:$0x40]  }
0x31: {  	[tilespmem:$0x120] =	vst v0  }
0x32: {  	v0 =	vld.idx.msk [tilespmem:v59+s12+$0x0], $0xffff;
	_ =	sdelay $0x3  }
0x33: {  	v61 =	vld [tilespmem:$0x50]  }
0x34: {  	[tilespmem:$0x130] =	vst v0  }
0x35: {  	v0 =	vld.idx.msk [tilespmem:v60+s12+$0x0], $0xffff;
	_ =	sdelay $0x3  }
0x36: {  	v62 =	vld [tilespmem:$0x60]  }
0x37: {  	[tilespmem:$0x140] =	vst v0  }
0x38: {  	v0 =	vld.idx.msk [tilespmem:v61+s12+$0x0], $0xffff;
	_ =	sdelay $0x3  }
0x39: {  	v63 =	vld [tilespmem:$0x70]  }
0x3a: {  	[tilespmem:$0x150] =	vst v0  }
0x3b: {  	v0 =	vld.idx.msk [tilespmem:v62+s12+$0x0], $0xffff;
	_ =	sdelay $0x4  }
0x3c: {  	[tilespmem:$0x160] =	vst v0  }
0x3d: {  	v0 =	vld.idx.msk [tilespmem:v63+s12+$0x0], $0xffff;
	_ =	sdelay $0x4  }
0x3e: {  	[tilespmem:$0x170] =	vst v0  }
0x3f: {  	p0 =	sne.s32 s7, $0x1;
	_ =	swait.ge [sflag:s18], $0x4000  }
.Ltmp0:
0x40: {  	[sflag:s18] =	ssyncset.done $0x0;
	(pc) =	sbr.rel @!p0 .LBB2_3-.Ltmp0, $4  }
0x41: {  	[sflag:s18] =	ssyncadd.s32 $0xFFFFC000  }
0x42: {  	[spmem:s3] =	stream.indirect.scatter.add.f32 [tilespmem:s17], [sflag:$0x2], $0x80, s19, s16, $0xb8;
	[tilespmem:$0x1A190] =	vst v63  }
0x43: {  	s22 =	sadd.s32 $0xFFFFFFFF, s7;
	_ =	swait.ge [sflag:s13], $0x4000  }
0x44: {  	s23 =	smov.u32 s10;
	s24 =	smov.u32 s11;
	[sflag:s13] =	ssyncset.done $0x0  }
.LBB2_2:
0x45: {  	[sflag:s13] =	ssyncadd.s32 $0xFFFFC000;
	s23 =	sadd.s32 $0x200, s23;
	s24 =	sadd.s32 $0x200, s24  }
0x46: {  	[tilespmem:s16], [sflag:$0x2] =	stream.linear.gather [hbm4b:s24+s4], $0x80, $0x38;
	[tilespmem:$0x1A190] =	vst v63  }
0x47: {  	p0 =	sne.s32 s22, $0x1;
	s22 =	sadd.s32 $0xFFFFFFFF, s22;
	_ =	swait.ge [sflag:s13], $0x80  }
0x48: {  	[sflag:s13] =	ssyncset.done $0x0  }
0x49: {  	[sflag:s13] =	ssyncadd.s32 $0xFFFFFF80  }
0x4a: {  	[tilespmem:s17], [sflag:$0x1] =	stream.indirect.gather [hbm4b:s1+s16], $0x80, s16, s16, $0xb8;
	[tilespmem:$0x1A190] =	vst v63  }
0x4b: {  	_ = 	snop  }
0x4c: {  	[tilespmem:s4], [sflag:$0x2] =	stream.linear.gather [hbm4b:s23+s4], $0x80, $0x38;
	[tilespmem:$0x1A190] =	vst v63  }
0x4d: {  	_ =	swait.ge [sflag:s13], $0x80  }
0x4e: {  	[sflag:s13] =	ssyncset.done $0x0  }
0x4f: {  	[sflag:s13] =	ssyncadd.s32 $0xFFFFFF80  }
0x50: {  	v0 =	vld [tilespmem:$0x0]  }
0x51: {  	v1 =	vld [tilespmem:$0x10]  }
0x52: {  	v2 =	vld [tilespmem:$0x20]  }
0x53: {  	v3 =	vld [tilespmem:$0x30]  }
0x54: {  	v4 =	vld [tilespmem:$0x40]  }
0x55: {  	v5 =	vld [tilespmem:$0x50]  }
0x56: {  	v6 =	vld [tilespmem:$0x60]  }
0x57: {  	v7 =	vld [tilespmem:$0x70]  }
0x58: {  	v0 =	vld.idx.msk [tilespmem:v0+s12+$0x0], $0xffff;
	_ =	sdelay $0x5  }
0x59: {  	[tilespmem:$0x100] =	vst v0  }
0x5a: {  	v0 =	vld.idx.msk [tilespmem:v1+s12+$0x0], $0xffff;
	_ =	sdelay $0x5  }
0x5b: {  	[tilespmem:$0x110] =	vst v0  }
0x5c: {  	v0 =	vld.idx.msk [tilespmem:v2+s12+$0x0], $0xffff;
	_ =	sdelay $0x5  }
0x5d: {  	[tilespmem:$0x120] =	vst v0  }
0x5e: {  	v0 =	vld.idx.msk [tilespmem:v3+s12+$0x0], $0xffff;
	_ =	sdelay $0x5  }
0x5f: {  	[tilespmem:$0x130] =	vst v0  }
0x60: {  	v0 =	vld.idx.msk [tilespmem:v4+s12+$0x0], $0xffff;
	_ =	sdelay $0x5  }
0x61: {  	[tilespmem:$0x140] =	vst v0  }
0x62: {  	v0 =	vld.idx.msk [tilespmem:v5+s12+$0x0], $0xffff;
	_ =	sdelay $0x5  }
0x63: {  	[tilespmem:$0x150] =	vst v0  }
0x64: {  	v0 =	vld.idx.msk [tilespmem:v6+s12+$0x0], $0xffff;
	_ =	sdelay $0x5  }
0x65: {  	[tilespmem:$0x160] =	vst v0  }
0x66: {  	v0 =	vld.idx.msk [tilespmem:v7+s12+$0x0], $0xffff;
	_ =	sdelay $0x5  }
0x67: {  	[tilespmem:$0x170] =	vst v0  }
0x68: {  	_ =	swait.ge [sflag:s18], $0x4000  }
.Ltmp1:
0x69: {  	[sflag:s18] =	ssyncset.done $0x0;
	(pc) =	sbr.rel @p0 .LBB2_2-.Ltmp1, $4  }
0x6a: {  	[sflag:s18] =	ssyncadd.s32 $0xFFFFC000  }
0x6b: {  	[spmem:s3] =	stream.indirect.scatter.add.f32 [tilespmem:s17], [sflag:$0x2], $0x80, s19, s16, $0xb8;
	[tilespmem:$0x1A190] =	vst v63  }
0x6c: {  	_ =	swait.ge [sflag:s13], $0x4000  }
0x6d: {  	[sflag:s13] =	ssyncset.done $0x0  }
.LBB2_3:
0x6e: {  	s21 =	sadd.s32 $0x1, s21  }
0x6f: {  	[sflag:s13] =	ssyncadd.s32 $0xFFFFC000;
	p0 =	sne.s32 s21, s8  }
.Ltmp2:
0x70: {  	[bflag:$0x0] =	sbarrier.arrive $0xFFFF;
	(pc) =	sbr.rel @p0 .LBB2_1-.Ltmp2, $4  }
0x71: {  	[hbm:s9], [sflag:s14] =	dma.local [spmem:s20], $0x2710  }
0x72: {  	_ =	swait.ge [sflag:s13], $0x2710  }
0x73: {  	[sflag:s13] =	ssyncset.done $0x0  }
0x74: {  	[sflag:s13] =	ssyncadd.s32 $0xFFFFD8F0  }
0x75: {  	_ =	sfence.sel $0x180000  }
0x76: {  	[bflag:$0x0] =	sbarrier.arrive $0xFFFF  }
0x77: {  	p0 =	sne.s32 s2, $0x0;
	_ =	strace $0x9000004D  }
0x78: {  	s0 =	sadd.s32 @!p0 $0x100000, s0;
	[bflag:$0x2] =	sbarrier.arrive $0xFFFF  }
0x79: {  	[sflag:s0] =	ssyncadd.tile.s32 @!p0 $0x1;
	_ =	shalt  }
.Lfunc_end2:
_tile_overlayer_lowered:
.L_overlay_start_2:
0x7a: {  	(tag) =	ssettag $0x2  }
0x7b: {  	s0 =	rddreg [dreg:$0x0];
	s2 =	stileid.u32  }
0x7c: {  	s1 =	rddreg [dreg:$0x1];
	p0 =	sne.s32 s2, $0x0  }
0x7d: {  	s3 =	rddreg [dreg:$0x2];
	[bflag:$0x3] =	sbarrier.arrive $0xFFFF;
	s2 =	simm.s32 @!p0 $0x1C02  }
0x7e: {  	[timem:s3], [sflag:s2] =	dma.local @!p0 [hbm:s0], s1  }
0x7f: {  	s0 =	simm.s32 @!p0 $0x2  }
0x80: {  	_ =	swait.ge @!p0 [sflag:s0], s1  }
0x81: {  	s1 =	ssub.s32 @!p0 $0x0, s1;
	[sflag:s0] =	ssyncset.done @!p0 $0x0  }
0x82: {  	[sflag:s0] =	ssyncadd.s32 @!p0 s1  }
0x83: {  	[bflag:$0x3] =	sbarrier.arrive $0xFFFF  }
0x84: {  	_ =	shalt  }

</sc_bundles>
